<compile_context>
chip_gen: v7x
topology: tpu7x:2x2x1
jax: 0.10.2.dev20260603
libtpu: 0.0.44.dev20260713+nightly
codegen_flags: <defaults>
</compile_context>

<pallas_src>
import functools

import jax
import jax.numpy as jnp
from jax import lax
from jax.experimental import pallas as pl
from jax.experimental.pallas import tpu as pltpu
from jax.experimental.pallas import tpu_sc as plsc

_EPS = 1e-5
_B = 16384
_CHUNK = 8192
_NCH = _B // _CHUNK
_GCHUNK = 128


_NP, _NL, _NG = 20, 10, 10
_NE = _NP + _NL + _NG


def _sc_gather(T, ip, il, ig, rows_p, rows_l):
    info = plsc.get_sparse_core_info()
    nw = info.num_cores * info.num_subcores
    bpw = _B // nw
    ngrp = bpw // 16

    mesh = plsc.VectorSubcoreMesh(core_axis_name="c", subcore_axis_name="s")

    nt = T.shape[0]

    @functools.partial(
        pl.kernel,
        mesh=mesh,
        out_type=jax.ShapeDtypeStruct((_B * 128,), jnp.float32),
        scratch_types=[
            pltpu.VMEM((nt * 32,), jnp.float32),
            pltpu.VMEM((bpw,), jnp.int32),
            pltpu.VMEM((bpw,), jnp.int32),
            pltpu.VMEM((bpw,), jnp.int32),
            pltpu.VMEM((bpw * 128,), jnp.float32),
            pltpu.SemaphoreType.DMA,
        ],
        compiler_params=pltpu.CompilerParams(needs_layout_passes=False),
    )
    def gather_k(t_hbm, ip_hbm, il_hbm, ig_hbm, out_hbm,
                 t_v, ip_v, il_v, ig_v, comb_v, sem):
        wid = lax.axis_index("s") * info.num_cores + lax.axis_index("c")
        base = wid * bpw
        copies = [
            pltpu.async_copy(t_hbm, t_v, sem),
            pltpu.async_copy(ip_hbm.at[pl.ds(base, bpw)], ip_v, sem),
            pltpu.async_copy(il_hbm.at[pl.ds(base, bpw)], il_v, sem),
            pltpu.async_copy(ig_hbm.at[pl.ds(base, bpw)], ig_v, sem),
        ]
        for c in copies:
            c.wait()
        lanes128 = lax.iota(jnp.int32, 16) * 128

        def body(g, carry):
            sv = g * (16 * 128) + lanes128
            rpv = ip_v[pl.ds(g * 16, 16)] * 32
            rlv = (il_v[pl.ds(g * 16, 16)] + rows_p) * 32
            rgv = (ig_v[pl.ds(g * 16, 16)] + rows_p + rows_l) * 32

            def flat_idx(j):
                if j < _NP:
                    return rpv + j
                if j < _NP + _NL:
                    return rlv + (j - _NP)
                return rgv + (j - _NP - _NL)

            pending = []
            for j in range(_NE):
                pending.append((j, plsc.load_gather(t_v, [flat_idx(j)])))
                if len(pending) > 4:
                    jj, xx = pending.pop(0)
                    plsc.store_scatter(comb_v, [sv + jj], xx)
            for jj, xx in pending:
                plsc.store_scatter(comb_v, [sv + jj], xx)
            return carry

        lax.fori_loop(0, ngrp, body, 0)
        pltpu.sync_copy(comb_v, out_hbm.at[pl.ds(base * 128, bpw * 128)])

    return gather_k(T.reshape(-1), ip, il, ig)


def _mlp_body(x_ref, e_ref,
              w1a_ref, w1e_ref, b1_ref, g1_ref, be1_ref,
              w2_ref, b2_ref, g2_ref, be2_ref, w3_ref, b3_ref,
              out_ref, h1_ref, h2_ref, s1_ref, q1_ref, s2_ref, q2_ref):
    p = pl.program_id(0)
    i = pl.program_id(1)
    sl = pl.ds(i * _CHUNK, _CHUNK)

    @pl.when(p == 0)
    def _phase0():
        h = jnp.dot(x_ref[...], w1a_ref[...],
                    preferred_element_type=jnp.float32)
        e2 = e_ref[...].reshape(_CHUNK, 128)
        h += jnp.dot(e2[:, :_NE].astype(jnp.bfloat16), w1e_ref[...],
                     preferred_element_type=jnp.float32)
        h = jnp.maximum(h + b1_ref[...], 0.0)
        h1_ref[sl, :] = h
        cs = jnp.sum(h, axis=0, keepdims=True)
        cq = jnp.sum(h * h, axis=0, keepdims=True)

        @pl.when(i == 0)
        def _():
            s1_ref[...] = cs
            q1_ref[...] = cq

        @pl.when(i > 0)
        def _():
            s1_ref[...] += cs
            q1_ref[...] += cq

    @pl.when(p == 1)
    def _phase1():
        m = s1_ref[...] * (1.0 / _B)
        v = q1_ref[...] * (1.0 / _B) - m * m
        a = g1_ref[...] * lax.rsqrt(v + _EPS)
        c = be1_ref[...] - m * a
        hn = h1_ref[sl, :] * a + c
        h = jnp.dot(hn.astype(jnp.bfloat16), w2_ref[...],
                    preferred_element_type=jnp.float32)
        h = jnp.maximum(h + b2_ref[...], 0.0)
        h2_ref[sl, :] = h
        cs = jnp.sum(h, axis=0, keepdims=True)
        cq = jnp.sum(h * h, axis=0, keepdims=True)

        @pl.when(i == 0)
        def _():
            s2_ref[...] = cs
            q2_ref[...] = cq

        @pl.when(i > 0)
        def _():
            s2_ref[...] += cs
            q2_ref[...] += cq

    @pl.when(p == 2)
    def _phase2():
        m = s2_ref[...] * (1.0 / _B)
        v = q2_ref[...] * (1.0 / _B) - m * m
        a = g2_ref[...] * lax.rsqrt(v + _EPS)
        c = be2_ref[...] - m * a
        hn = h2_ref[sl, :] * a + c
        o = jnp.dot(hn, w3_ref[...], preferred_element_type=jnp.float32)
        out_ref[...] = o + b3_ref[...]


def _mlp(X, e_all, w1a, w1e, b1, g1, be1,
         w2t, b2, g2, be2, w3t, b3, interpret=False):
    def data_map(p, i):
        return (jnp.where(p == 0, i, 0), 0)

    def const_map(p, i):
        return (0, 0)

    def out_map(p, i):
        return (jnp.where(p == 2, i, 0), 0)

    return pl.pallas_call(
        _mlp_body,
        grid=(3, _NCH),
        in_specs=[
            pl.BlockSpec((_CHUNK, X.shape[1]), data_map),
            pl.BlockSpec((_CHUNK * 128,), lambda p, i: (jnp.where(p == 0, i, 0),)),
        ] + [pl.BlockSpec(w.shape, const_map)
             for w in (w1a, w1e, b1, g1, be1,
                       w2t, b2, g2, be2, w3t, b3)],
        out_specs=pl.BlockSpec((_CHUNK, 1), out_map),
        out_shape=jax.ShapeDtypeStruct((_B, 1), jnp.float32),
        scratch_shapes=[
            pltpu.VMEM((_B, 50), jnp.float32),
            pltpu.VMEM((_B, 30), jnp.float32),
            pltpu.VMEM((1, 50), jnp.float32),
            pltpu.VMEM((1, 50), jnp.float32),
            pltpu.VMEM((1, 30), jnp.float32),
            pltpu.VMEM((1, 30), jnp.float32),
        ],
        compiler_params=pltpu.CompilerParams(
            dimension_semantics=("arbitrary", "arbitrary")),
        interpret=interpret,
    )(X, e_all, w1a, w1e, b1, g1, be1,
      w2t, b2, g2, be2, w3t, b3)


def kernel(X, P, L, G, W1, b1, g1, be1, W2, b2, g2, be2, W3, b3):
    idx = X[:, 23:26].astype(jnp.int32)
    ip, il, ig = idx[:, 0], idx[:, 1], idx[:, 2]

    T = jnp.concatenate([
        jnp.pad(P, ((0, 0), (0, 32 - P.shape[1]))),
        jnp.pad(L, ((0, 0), (0, 32 - L.shape[1]))),
        jnp.pad(G, ((0, 0), (0, 32 - G.shape[1]))),
    ], axis=0)
    e_all = _sc_gather(T, ip, il, ig, P.shape[0], L.shape[0])

    W1T = W1.T
    w1a = W1T[:23].astype(jnp.bfloat16)
    w1e = W1T[23:].astype(jnp.bfloat16)
    xa = X[:, :23].astype(jnp.bfloat16)

    out = _mlp(xa, e_all, w1a, w1e,
               b1.reshape(1, -1), g1.reshape(1, -1), be1.reshape(1, -1),
               W2.T.astype(jnp.bfloat16),
               b2.reshape(1, -1), g2.reshape(1, -1), be2.reshape(1, -1),
               W3.T, b3.reshape(1, 1))
    return out

# --- scband reference (transcript-rebuilt; emitter-appended) ---
"""Pipeline reference for scband-ff-nn-emb-74758200754774 (READ-ONLY COPY).

The authoritative reference and input builder live on the scoring server;
editing this copy changes nothing except your own understanding.
"""

import jax, jax.numpy as jnp
import numpy as np

EPS = 1e-5

def setup_inputs(seed: int = 0) -> dict:
    key = jax.random.key(seed)
    ks = jax.random.split(key, 16)
    X = jax.random.uniform(ks[0], (16384, 26), dtype=jnp.float32)
    # learned parameters
    P = jax.random.normal(ks[1], (154, 20), dtype=jnp.float32)
    L = jax.random.normal(ks[2], (20, 10), dtype=jnp.float32)
    G = jax.random.normal(ks[3], (20, 10), dtype=jnp.float32)
    W1 = jax.random.normal(ks[4], (50, 63), dtype=jnp.float32) * (1.0 / np.sqrt(63))
    b1 = jnp.zeros((50,), dtype=jnp.float32)
    g1 = jnp.ones((50,), dtype=jnp.float32)
    be1 = jnp.zeros((50,), dtype=jnp.float32)
    W2 = jax.random.normal(ks[5], (30, 50), dtype=jnp.float32) * (1.0 / np.sqrt(50))
    b2 = jnp.zeros((30,), dtype=jnp.float32)
    g2 = jnp.ones((30,), dtype=jnp.float32)
    be2 = jnp.zeros((30,), dtype=jnp.float32)
    W3 = jax.random.normal(ks[6], (1, 30), dtype=jnp.float32) * (1.0 / np.sqrt(30))
    b3 = jnp.zeros((1,), dtype=jnp.float32)
    return {"X": X, "P": P, "L": L, "G": G, "W1": W1, "b1": b1, "g1": g1, "be1": be1,
            "W2": W2, "b2": b2, "g2": g2, "be2": be2, "W3": W3, "b3": b3}

def _batchnorm_train(h, gamma, beta):
    mean = jnp.mean(h, axis=0)
    var = jnp.var(h, axis=0)
    return (h - mean) / jnp.sqrt(var + EPS) * gamma + beta

def reference(X, P, L, G, W1, b1, g1, be1, W2, b2, g2, be2, W3, b3):
    # indices from last 3 float columns, truncated like .type(torch.LongTensor)
    idx_prod = X[:, -3].astype(jnp.int32)
    idx_loc = X[:, -2].astype(jnp.int32)
    idx_pg3 = X[:, -1].astype(jnp.int32)
    e_prod = jnp.take(P, idx_prod, axis=0)
    e_loc = jnp.take(L, idx_loc, axis=0)
    e_pg3 = jnp.take(G, idx_pg3, axis=0)
    h = jnp.concatenate([X[:, :-3], e_prod, e_loc, e_pg3], axis=1)
    h = h @ W1.T + b1
    h = jax.nn.relu(h)
    h = _batchnorm_train(h, g1, be1)
    h = h @ W2.T + b2
    h = jax.nn.relu(h)
    h = _batchnorm_train(h, g2, be2)
    h = h @ W3.T + b3
    return h

if __name__ == "__main__":
    import jax
    _d = setup_inputs()
    print(jax.jit(kernel)(*tuple(_d.values())))

</pallas_src>

<mosaic_0001>
#map = affine_map<(d0, d1) -> (0)>
module attributes {stable_mosaic.version = 14 : i64} {
  func.func @gather_k(%arg0: i32, %arg1: i32, %arg2: memref<6208xf32, #tpu.memory_space<hbm>>, %arg3: memref<16384xi32, #tpu.memory_space<hbm>>, %arg4: memref<16384xi32, #tpu.memory_space<hbm>>, %arg5: memref<16384xi32, #tpu.memory_space<hbm>>, %arg6: memref<2097152xf32, #tpu.memory_space<hbm>>, %arg7: memref<6208xf32, #tpu.memory_space<vmem>>, %arg8: memref<512xi32, #tpu.memory_space<vmem>>, %arg9: memref<512xi32, #tpu.memory_space<vmem>>, %arg10: memref<512xi32, #tpu.memory_space<vmem>>, %arg11: memref<65536xf32, #tpu.memory_space<vmem>>, %arg12: memref<!tpu.dma_semaphore, #tpu.memory_space<semaphore_mem>>) attributes {dimension_semantics = [#tpu.dimension_semantics<core_parallel>, #tpu.dimension_semantics<subcore_parallel>], iteration_bounds = array<i64: 2, 16>, scalar_prefetch = 0 : i64, scratch_operands = 6 : i64, tpu.core_type = #tpu.core_type<sc_vector_subcore>, window_params = [{transform_indices = #map}, {transform_indices = #map}, {transform_indices = #map}, {transform_indices = #map}, {transform_indices = #map}]} {
    %mul3A = arith.constant 2 : i32
    %mul3A_0 = arith.muli %arg1, %mul3A : i32
    %add3A = arith.addi %mul3A_0, %arg0 : i32
    %mul3A_1 = arith.constant 512 : i32
    %mul3A_2 = arith.muli %add3A, %mul3A_1 : i32
    tpu.enqueue_dma source(%arg2 : memref<6208xf32, #tpu.memory_space<hbm>>) target(%arg7 : memref<6208xf32, #tpu.memory_space<vmem>>) target_semaphore(%arg12 : memref<!tpu.dma_semaphore, #tpu.memory_space<semaphore_mem>>)
    %dma_start3A = tpu.memref_slice %arg3[%mul3A_2] : memref<16384xi32, #tpu.memory_space<hbm>> -> memref<512xi32, #tpu.memory_space<hbm>>
    %dma_start3A_3 = tpu.memref_slice %arg3[%mul3A_2] : memref<16384xi32, #tpu.memory_space<hbm>> -> memref<512xi32, #tpu.memory_space<hbm>>
    tpu.enqueue_dma source(%dma_start3A_3 : memref<512xi32, #tpu.memory_space<hbm>>) target(%arg8 : memref<512xi32, #tpu.memory_space<vmem>>) target_semaphore(%arg12 : memref<!tpu.dma_semaphore, #tpu.memory_space<semaphore_mem>>)
    %dma_start3A_4 = tpu.memref_slice %arg4[%mul3A_2] : memref<16384xi32, #tpu.memory_space<hbm>> -> memref<512xi32, #tpu.memory_space<hbm>>
    %dma_start3A_5 = tpu.memref_slice %arg4[%mul3A_2] : memref<16384xi32, #tpu.memory_space<hbm>> -> memref<512xi32, #tpu.memory_space<hbm>>
    tpu.enqueue_dma source(%dma_start3A_5 : memref<512xi32, #tpu.memory_space<hbm>>) target(%arg9 : memref<512xi32, #tpu.memory_space<vmem>>) target_semaphore(%arg12 : memref<!tpu.dma_semaphore, #tpu.memory_space<semaphore_mem>>)
    %dma_start3A_6 = tpu.memref_slice %arg5[%mul3A_2] : memref<16384xi32, #tpu.memory_space<hbm>> -> memref<512xi32, #tpu.memory_space<hbm>>
    %dma_start3A_7 = tpu.memref_slice %arg5[%mul3A_2] : memref<16384xi32, #tpu.memory_space<hbm>> -> memref<512xi32, #tpu.memory_space<hbm>>
    tpu.enqueue_dma source(%dma_start3A_7 : memref<512xi32, #tpu.memory_space<hbm>>) target(%arg10 : memref<512xi32, #tpu.memory_space<vmem>>) target_semaphore(%arg12 : memref<!tpu.dma_semaphore, #tpu.memory_space<semaphore_mem>>)
    tpu.wait_dma2 semaphore(%arg12 : memref<!tpu.dma_semaphore, #tpu.memory_space<semaphore_mem>>) src(%arg2 : memref<6208xf32, #tpu.memory_space<hbm>>) dst(%arg7 : memref<6208xf32, #tpu.memory_space<vmem>>)
    %dma_wait3A = tpu.memref_slice %arg3[%mul3A_2] : memref<16384xi32, #tpu.memory_space<hbm>> -> memref<512xi32, #tpu.memory_space<hbm>>
    %dma_wait3A_8 = tpu.memref_slice %arg3[%mul3A_2] : memref<16384xi32, #tpu.memory_space<hbm>> -> memref<512xi32, #tpu.memory_space<hbm>>
    tpu.wait_dma2 semaphore(%arg12 : memref<!tpu.dma_semaphore, #tpu.memory_space<semaphore_mem>>) src(%dma_wait3A_8 : memref<512xi32, #tpu.memory_space<hbm>>) dst(%arg8 : memref<512xi32, #tpu.memory_space<vmem>>)
    %dma_wait3A_9 = tpu.memref_slice %arg4[%mul3A_2] : memref<16384xi32, #tpu.memory_space<hbm>> -> memref<512xi32, #tpu.memory_space<hbm>>
    %dma_wait3A_10 = tpu.memref_slice %arg4[%mul3A_2] : memref<16384xi32, #tpu.memory_space<hbm>> -> memref<512xi32, #tpu.memory_space<hbm>>
    tpu.wait_dma2 semaphore(%arg12 : memref<!tpu.dma_semaphore, #tpu.memory_space<semaphore_mem>>) src(%dma_wait3A_10 : memref<512xi32, #tpu.memory_space<hbm>>) dst(%arg9 : memref<512xi32, #tpu.memory_space<vmem>>)
    %dma_wait3A_11 = tpu.memref_slice %arg5[%mul3A_2] : memref<16384xi32, #tpu.memory_space<hbm>> -> memref<512xi32, #tpu.memory_space<hbm>>
    %dma_wait3A_12 = tpu.memref_slice %arg5[%mul3A_2] : memref<16384xi32, #tpu.memory_space<hbm>> -> memref<512xi32, #tpu.memory_space<hbm>>
    tpu.wait_dma2 semaphore(%arg12 : memref<!tpu.dma_semaphore, #tpu.memory_space<semaphore_mem>>) src(%dma_wait3A_12 : memref<512xi32, #tpu.memory_space<hbm>>) dst(%arg10 : memref<512xi32, #tpu.memory_space<vmem>>)
    %iota3A = tpu.iota {dimensions = array<i32: 0>} : vector<16xi32>
    %mul3A_13 = arith.constant 128 : i32
    %mul3A_14 = vector.broadcast %mul3A_13 : i32 to vector<16xi32>
    %mul3A_15 = arith.muli %iota3A, %mul3A_14 : vector<16xi32>
    %scan3A = arith.constant 0 : i32
    %scan3A_16 = arith.constant 0 : i32
    %scan3A_17 = arith.constant 32 : i32
    %scan3A_18 = arith.addi %scan3A_16, %scan3A_17 : i32
    %scan3A_19 = arith.constant 1 : i32
    scf.for %scan3A_23 = %scan3A_16 to %scan3A_18 step %scan3A_19  : i32 {
      %mul3A_24 = arith.constant 2048 : i32
      %mul3A_25 = arith.muli %scan3A_23, %mul3A_24 : i32
      %add3A_26 = vector.broadcast %mul3A_25 : i32 to vector<16xi32>
      %add3A_27 = arith.addi %add3A_26, %mul3A_15 : vector<16xi32>
      %mul3A_28 = arith.constant 16 : i32
      %mul3A_29 = arith.muli %scan3A_23, %mul3A_28 : i32
      %get3A = arith.index_cast %mul3A_29 : i32 to index
      %get3A_30 = tpu.vector_load %arg8[%get3A] {strides = array<i32>} : memref<512xi32, #tpu.memory_space<vmem>>, vector<16xi32>,
      %mul3A_31 = arith.constant 32 : i32
      %mul3A_32 = vector.broadcast %mul3A_31 : i32 to vector<16xi32>
      %mul3A_33 = arith.muli %get3A_30, %mul3A_32 : vector<16xi32>
      %mul3A_34 = arith.constant 16 : i32
      %mul3A_35 = arith.muli %scan3A_23, %mul3A_34 : i32
      %get3A_36 = arith.index_cast %mul3A_35 : i32 to index
      %get3A_37 = tpu.vector_load %arg9[%get3A_36] {strides = array<i32>} : memref<512xi32, #tpu.memory_space<vmem>>, vector<16xi32>,
      %add3A_38 = arith.constant 154 : i32
      %add3A_39 = vector.broadcast %add3A_38 : i32 to vector<16xi32>
      %add3A_40 = arith.addi %get3A_37, %add3A_39 : vector<16xi32>
      %mul3A_41 = arith.constant 32 : i32
      %mul3A_42 = vector.broadcast %mul3A_41 : i32 to vector<16xi32>
      %mul3A_43 = arith.muli %add3A_40, %mul3A_42 : vector<16xi32>
      %mul3A_44 = arith.constant 16 : i32
      %mul3A_45 = arith.muli %scan3A_23, %mul3A_44 : i32
      %get3A_46 = arith.index_cast %mul3A_45 : i32 to index
      %get3A_47 = tpu.vector_load %arg10[%get3A_46] {strides = array<i32>} : memref<512xi32, #tpu.memory_space<vmem>>, vector<16xi32>,
      %add3A_48 = arith.constant 154 : i32
      %add3A_49 = vector.broadcast %add3A_48 : i32 to vector<16xi32>
      %add3A_50 = arith.addi %get3A_47, %add3A_49 : vector<16xi32>
      %add3A_51 = arith.constant 20 : i32
      %add3A_52 = vector.broadcast %add3A_51 : i32 to vector<16xi32>
      %add3A_53 = arith.addi %add3A_50, %add3A_52 : vector<16xi32>
      %mul3A_54 = arith.constant 32 : i32
      %mul3A_55 = vector.broadcast %mul3A_54 : i32 to vector<16xi32>
      %mul3A_56 = arith.muli %add3A_53, %mul3A_55 : vector<16xi32>
      %add3A_57 = arith.constant 0 : i32
      %add3A_58 = vector.broadcast %add3A_57 : i32 to vector<16xi32>
      %add3A_59 = arith.addi %mul3A_33, %add3A_58 : vector<16xi32>
      %gather3A = tpu.vector_load_idx %arg7[%add3A_59] : memref<6208xf32, #tpu.memory_space<vmem>>[vector<16xi32>], vector<16xf32>,
      %add3A_60 = arith.constant 1 : i32
      %add3A_61 = vector.broadcast %add3A_60 : i32 to vector<16xi32>
      %add3A_62 = arith.addi %mul3A_33, %add3A_61 : vector<16xi32>
      %gather3A_63 = tpu.vector_load_idx %arg7[%add3A_62] : memref<6208xf32, #tpu.memory_space<vmem>>[vector<16xi32>], vector<16xf32>,
      %add3A_64 = arith.constant 2 : i32
      %add3A_65 = vector.broadcast %add3A_64 : i32 to vector<16xi32>
      %add3A_66 = arith.addi %mul3A_33, %add3A_65 : vector<16xi32>
      %gather3A_67 = tpu.vector_load_idx %arg7[%add3A_66] : memref<6208xf32, #tpu.memory_space<vmem>>[vector<16xi32>], vector<16xf32>,
      %add3A_68 = arith.constant 3 : i32
      %add3A_69 = vector.broadcast %add3A_68 : i32 to vector<16xi32>
      %add3A_70 = arith.addi %mul3A_33, %add3A_69 : vector<16xi32>
      %gather3A_71 = tpu.vector_load_idx %arg7[%add3A_70] : memref<6208xf32, #tpu.memory_space<vmem>>[vector<16xi32>], vector<16xf32>,
      %add3A_72 = arith.constant 4 : i32
      %add3A_73 = vector.broadcast %add3A_72 : i32 to vector<16xi32>
      %add3A_74 = arith.addi %mul3A_33, %add3A_73 : vector<16xi32>
      %gather3A_75 = tpu.vector_load_idx %arg7[%add3A_74] : memref<6208xf32, #tpu.memory_space<vmem>>[vector<16xi32>], vector<16xf32>,
      %add3A_76 = arith.constant 0 : i32
      %add3A_77 = vector.broadcast %add3A_76 : i32 to vector<16xi32>
      %add3A_78 = arith.addi %add3A_27, %add3A_77 : vector<16xi32>
      tpu.vector_store_idx %arg11[%add3A_78], %gather3A : memref<65536xf32, #tpu.memory_space<vmem>>[vector<16xi32>], vector<16xf32>,
      %add3A_79 = arith.constant 5 : i32
      %add3A_80 = vector.broadcast %add3A_79 : i32 to vector<16xi32>
      %add3A_81 = arith.addi %mul3A_33, %add3A_80 : vector<16xi32>
      %gather3A_82 = tpu.vector_load_idx %arg7[%add3A_81] : memref<6208xf32, #tpu.memory_space<vmem>>[vector<16xi32>], vector<16xf32>,
      %add3A_83 = arith.constant 1 : i32
      %add3A_84 = vector.broadcast %add3A_83 : i32 to vector<16xi32>
      %add3A_85 = arith.addi %add3A_27, %add3A_84 : vector<16xi32>
      tpu.vector_store_idx %arg11[%add3A_85], %gather3A_63 : memref<65536xf32, #tpu.memory_space<vmem>>[vector<16xi32>], vector<16xf32>,
      %add3A_86 = arith.constant 6 : i32
      %add3A_87 = vector.broadcast %add3A_86 : i32 to vector<16xi32>
      %add3A_88 = arith.addi %mul3A_33, %add3A_87 : vector<16xi32>
      %gather3A_89 = tpu.vector_load_idx %arg7[%add3A_88] : memref<6208xf32, #tpu.memory_space<vmem>>[vector<16xi32>], vector<16xf32>,
      %add3A_90 = arith.constant 2 : i32
      %add3A_91 = vector.broadcast %add3A_90 : i32 to vector<16xi32>
      %add3A_92 = arith.addi %add3A_27, %add3A_91 : vector<16xi32>
      tpu.vector_store_idx %arg11[%add3A_92], %gather3A_67 : memref<65536xf32, #tpu.memory_space<vmem>>[vector<16xi32>], vector<16xf32>,
      %add3A_93 = arith.constant 7 : i32
      %add3A_94 = vector.broadcast %add3A_93 : i32 to vector<16xi32>
      %add3A_95 = arith.addi %mul3A_33, %add3A_94 : vector<16xi32>
      %gather3A_96 = tpu.vector_load_idx %arg7[%add3A_95] : memref<6208xf32, #tpu.memory_space<vmem>>[vector<16xi32>], vector<16xf32>,
      %add3A_97 = arith.constant 3 : i32
      %add3A_98 = vector.broadcast %add3A_97 : i32 to vector<16xi32>
      %add3A_99 = arith.addi %add3A_27, %add3A_98 : vector<16xi32>
      tpu.vector_store_idx %arg11[%add3A_99], %gather3A_71 : memref<65536xf32, #tpu.memory_space<vmem>>[vector<16xi32>], vector<16xf32>,
      %add3A_100 = arith.constant 8 : i32
      %add3A_101 = vector.broadcast %add3A_100 : i32 to vector<16xi32>
      %add3A_102 = arith.addi %mul3A_33, %add3A_101 : vector<16xi32>
      %gather3A_103 = tpu.vector_load_idx %arg7[%add3A_102] : memref<6208xf32, #tpu.memory_space<vmem>>[vector<16xi32>], vector<16xf32>,
      %add3A_104 = arith.constant 4 : i32
      %add3A_105 = vector.broadcast %add3A_104 : i32 to vector<16xi32>
      %add3A_106 = arith.addi %add3A_27, %add3A_105 : vector<16xi32>
      tpu.vector_store_idx %arg11[%add3A_106], %gather3A_75 : memref<65536xf32, #tpu.memory_space<vmem>>[vector<16xi32>], vector<16xf32>,
      %add3A_107 = arith.constant 9 : i32
      %add3A_108 = vector.broadcast %add3A_107 : i32 to vector<16xi32>
      %add3A_109 = arith.addi %mul3A_33, %add3A_108 : vector<16xi32>
      %gather3A_110 = tpu.vector_load_idx %arg7[%add3A_109] : memref<6208xf32, #tpu.memory_space<vmem>>[vector<16xi32>], vector<16xf32>,
      %add3A_111 = arith.constant 5 : i32
      %add3A_112 = vector.broadcast %add3A_111 : i32 to vector<16xi32>
      %add3A_113 = arith.addi %add3A_27, %add3A_112 : vector<16xi32>
      tpu.vector_store_idx %arg11[%add3A_113], %gather3A_82 : memref<65536xf32, #tpu.memory_space<vmem>>[vector<16xi32>], vector<16xf32>,
      %add3A_114 = arith.constant 10 : i32
      %add3A_115 = vector.broadcast %add3A_114 : i32 to vector<16xi32>
      %add3A_116 = arith.addi %mul3A_33, %add3A_115 : vector<16xi32>
      %gather3A_117 = tpu.vector_load_idx %arg7[%add3A_116] : memref<6208xf32, #tpu.memory_space<vmem>>[vector<16xi32>], vector<16xf32>,
      %add3A_118 = arith.constant 6 : i32
      %add3A_119 = vector.broadcast %add3A_118 : i32 to vector<16xi32>
      %add3A_120 = arith.addi %add3A_27, %add3A_119 : vector<16xi32>
      tpu.vector_store_idx %arg11[%add3A_120], %gather3A_89 : memref<65536xf32, #tpu.memory_space<vmem>>[vector<16xi32>], vector<16xf32>,
      %add3A_121 = arith.constant 11 : i32
      %add3A_122 = vector.broadcast %add3A_121 : i32 to vector<16xi32>
      %add3A_123 = arith.addi %mul3A_33, %add3A_122 : vector<16xi32>
      %gather3A_124 = tpu.vector_load_idx %arg7[%add3A_123] : memref<6208xf32, #tpu.memory_space<vmem>>[vector<16xi32>], vector<16xf32>,
      %add3A_125 = arith.constant 7 : i32
      %add3A_126 = vector.broadcast %add3A_125 : i32 to vector<16xi32>
      %add3A_127 = arith.addi %add3A_27, %add3A_126 : vector<16xi32>
      tpu.vector_store_idx %arg11[%add3A_127], %gather3A_96 : memref<65536xf32, #tpu.memory_space<vmem>>[vector<16xi32>], vector<16xf32>,
      %add3A_128 = arith.constant 12 : i32
      %add3A_129 = vector.broadcast %add3A_128 : i32 to vector<16xi32>
      %add3A_130 = arith.addi %mul3A_33, %add3A_129 : vector<16xi32>
      %gather3A_131 = tpu.vector_load_idx %arg7[%add3A_130] : memref<6208xf32, #tpu.memory_space<vmem>>[vector<16xi32>], vector<16xf32>,
      %add3A_132 = arith.constant 8 : i32
      %add3A_133 = vector.broadcast %add3A_132 : i32 to vector<16xi32>
      %add3A_134 = arith.addi %add3A_27, %add3A_133 : vector<16xi32>
      tpu.vector_store_idx %arg11[%add3A_134], %gather3A_103 : memref<65536xf32, #tpu.memory_space<vmem>>[vector<16xi32>], vector<16xf32>,
      %add3A_135 = arith.constant 13 : i32
      %add3A_136 = vector.broadcast %add3A_135 : i32 to vector<16xi32>
      %add3A_137 = arith.addi %mul3A_33, %add3A_136 : vector<16xi32>
      %gather3A_138 = tpu.vector_load_idx %arg7[%add3A_137] : memref<6208xf32, #tpu.memory_space<vmem>>[vector<16xi32>], vector<16xf32>,
      %add3A_139 = arith.constant 9 : i32
      %add3A_140 = vector.broadcast %add3A_139 : i32 to vector<16xi32>
      %add3A_141 = arith.addi %add3A_27, %add3A_140 : vector<16xi32>
      tpu.vector_store_idx %arg11[%add3A_141], %gather3A_110 : memref<65536xf32, #tpu.memory_space<vmem>>[vector<16xi32>], vector<16xf32>,
      %add3A_142 = arith.constant 14 : i32
      %add3A_143 = vector.broadcast %add3A_142 : i32 to vector<16xi32>
      %add3A_144 = arith.addi %mul3A_33, %add3A_143 : vector<16xi32>
      %gather3A_145 = tpu.vector_load_idx %arg7[%add3A_144] : memref<6208xf32, #tpu.memory_space<vmem>>[vector<16xi32>], vector<16xf32>,
      %add3A_146 = arith.constant 10 : i32
      %add3A_147 = vector.broadcast %add3A_146 : i32 to vector<16xi32>
      %add3A_148 = arith.addi %add3A_27, %add3A_147 : vector<16xi32>
      tpu.vector_store_idx %arg11[%add3A_148], %gather3A_117 : memref<65536xf32, #tpu.memory_space<vmem>>[vector<16xi32>], vector<16xf32>,
      %add3A_149 = arith.constant 15 : i32
      %add3A_150 = vector.broadcast %add3A_149 : i32 to vector<16xi32>
      %add3A_151 = arith.addi %mul3A_33, %add3A_150 : vector<16xi32>
      %gather3A_152 = tpu.vector_load_idx %arg7[%add3A_151] : memref<6208xf32, #tpu.memory_space<vmem>>[vector<16xi32>], vector<16xf32>,
      %add3A_153 = arith.constant 11 : i32
      %add3A_154 = vector.broadcast %add3A_153 : i32 to vector<16xi32>
      %add3A_155 = arith.addi %add3A_27, %add3A_154 : vector<16xi32>
      tpu.vector_store_idx %arg11[%add3A_155], %gather3A_124 : memref<65536xf32, #tpu.memory_space<vmem>>[vector<16xi32>], vector<16xf32>,
      %add3A_156 = arith.constant 16 : i32
      %add3A_157 = vector.broadcast %add3A_156 : i32 to vector<16xi32>
      %add3A_158 = arith.addi %mul3A_33, %add3A_157 : vector<16xi32>
      %gather3A_159 = tpu.vector_load_idx %arg7[%add3A_158] : memref<6208xf32, #tpu.memory_space<vmem>>[vector<16xi32>], vector<16xf32>,
      %add3A_160 = arith.constant 12 : i32
      %add3A_161 = vector.broadcast %add3A_160 : i32 to vector<16xi32>
      %add3A_162 = arith.addi %add3A_27, %add3A_161 : vector<16xi32>
      tpu.vector_store_idx %arg11[%add3A_162], %gather3A_131 : memref<65536xf32, #tpu.memory_space<vmem>>[vector<16xi32>], vector<16xf32>,
      %add3A_163 = arith.constant 17 : i32
      %add3A_164 = vector.broadcast %add3A_163 : i32 to vector<16xi32>
      %add3A_165 = arith.addi %mul3A_33, %add3A_164 : vector<16xi32>
      %gather3A_166 = tpu.vector_load_idx %arg7[%add3A_165] : memref<6208xf32, #tpu.memory_space<vmem>>[vector<16xi32>], vector<16xf32>,
      %add3A_167 = arith.constant 13 : i32
      %add3A_168 = vector.broadcast %add3A_167 : i32 to vector<16xi32>
      %add3A_169 = arith.addi %add3A_27, %add3A_168 : vector<16xi32>
      tpu.vector_store_idx %arg11[%add3A_169], %gather3A_138 : memref<65536xf32, #tpu.memory_space<vmem>>[vector<16xi32>], vector<16xf32>,
      %add3A_170 = arith.constant 18 : i32
      %add3A_171 = vector.broadcast %add3A_170 : i32 to vector<16xi32>
      %add3A_172 = arith.addi %mul3A_33, %add3A_171 : vector<16xi32>
      %gather3A_173 = tpu.vector_load_idx %arg7[%add3A_172] : memref<6208xf32, #tpu.memory_space<vmem>>[vector<16xi32>], vector<16xf32>,
      %add3A_174 = arith.constant 14 : i32
      %add3A_175 = vector.broadcast %add3A_174 : i32 to vector<16xi32>
      %add3A_176 = arith.addi %add3A_27, %add3A_175 : vector<16xi32>
      tpu.vector_store_idx %arg11[%add3A_176], %gather3A_145 : memref<65536xf32, #tpu.memory_space<vmem>>[vector<16xi32>], vector<16xf32>,
      %add3A_177 = arith.constant 19 : i32
      %add3A_178 = vector.broadcast %add3A_177 : i32 to vector<16xi32>
      %add3A_179 = arith.addi %mul3A_33, %add3A_178 : vector<16xi32>
      %gather3A_180 = tpu.vector_load_idx %arg7[%add3A_179] : memref<6208xf32, #tpu.memory_space<vmem>>[vector<16xi32>], vector<16xf32>,
      %add3A_181 = arith.constant 15 : i32
      %add3A_182 = vector.broadcast %add3A_181 : i32 to vector<16xi32>
      %add3A_183 = arith.addi %add3A_27, %add3A_182 : vector<16xi32>
      tpu.vector_store_idx %arg11[%add3A_183], %gather3A_152 : memref<65536xf32, #tpu.memory_space<vmem>>[vector<16xi32>], vector<16xf32>,
      %add3A_184 = arith.constant 0 : i32
      %add3A_185 = vector.broadcast %add3A_184 : i32 to vector<16xi32>
      %add3A_186 = arith.addi %mul3A_43, %add3A_185 : vector<16xi32>
      %gather3A_187 = tpu.vector_load_idx %arg7[%add3A_186] : memref<6208xf32, #tpu.memory_space<vmem>>[vector<16xi32>], vector<16xf32>,
      %add3A_188 = arith.constant 16 : i32
      %add3A_189 = vector.broadcast %add3A_188 : i32 to vector<16xi32>
      %add3A_190 = arith.addi %add3A_27, %add3A_189 : vector<16xi32>
      tpu.vector_store_idx %arg11[%add3A_190], %gather3A_159 : memref<65536xf32, #tpu.memory_space<vmem>>[vector<16xi32>], vector<16xf32>,
      %add3A_191 = arith.constant 1 : i32
      %add3A_192 = vector.broadcast %add3A_191 : i32 to vector<16xi32>
      %add3A_193 = arith.addi %mul3A_43, %add3A_192 : vector<16xi32>
      %gather3A_194 = tpu.vector_load_idx %arg7[%add3A_193] : memref<6208xf32, #tpu.memory_space<vmem>>[vector<16xi32>], vector<16xf32>,
      %add3A_195 = arith.constant 17 : i32
      %add3A_196 = vector.broadcast %add3A_195 : i32 to vector<16xi32>
      %add3A_197 = arith.addi %add3A_27, %add3A_196 : vector<16xi32>
      tpu.vector_store_idx %arg11[%add3A_197], %gather3A_166 : memref<65536xf32, #tpu.memory_space<vmem>>[vector<16xi32>], vector<16xf32>,
      %add3A_198 = arith.constant 2 : i32
      %add3A_199 = vector.broadcast %add3A_198 : i32 to vector<16xi32>
      %add3A_200 = arith.addi %mul3A_43, %add3A_199 : vector<16xi32>
      %gather3A_201 = tpu.vector_load_idx %arg7[%add3A_200] : memref<6208xf32, #tpu.memory_space<vmem>>[vector<16xi32>], vector<16xf32>,
      %add3A_202 = arith.constant 18 : i32
      %add3A_203 = vector.broadcast %add3A_202 : i32 to vector<16xi32>
      %add3A_204 = arith.addi %add3A_27, %add3A_203 : vector<16xi32>
      tpu.vector_store_idx %arg11[%add3A_204], %gather3A_173 : memref<65536xf32, #tpu.memory_space<vmem>>[vector<16xi32>], vector<16xf32>,
      %add3A_205 = arith.constant 3 : i32
      %add3A_206 = vector.broadcast %add3A_205 : i32 to vector<16xi32>
      %add3A_207 = arith.addi %mul3A_43, %add3A_206 : vector<16xi32>
      %gather3A_208 = tpu.vector_load_idx %arg7[%add3A_207] : memref<6208xf32, #tpu.memory_space<vmem>>[vector<16xi32>], vector<16xf32>,
      %add3A_209 = arith.constant 19 : i32
      %add3A_210 = vector.broadcast %add3A_209 : i32 to vector<16xi32>
      %add3A_211 = arith.addi %add3A_27, %add3A_210 : vector<16xi32>
      tpu.vector_store_idx %arg11[%add3A_211], %gather3A_180 : memref<65536xf32, #tpu.memory_space<vmem>>[vector<16xi32>], vector<16xf32>,
      %add3A_212 = arith.constant 4 : i32
      %add3A_213 = vector.broadcast %add3A_212 : i32 to vector<16xi32>
      %add3A_214 = arith.addi %mul3A_43, %add3A_213 : vector<16xi32>
      %gather3A_215 = tpu.vector_load_idx %arg7[%add3A_214] : memref<6208xf32, #tpu.memory_space<vmem>>[vector<16xi32>], vector<16xf32>,
      %add3A_216 = arith.constant 20 : i32
      %add3A_217 = vector.broadcast %add3A_216 : i32 to vector<16xi32>
      %add3A_218 = arith.addi %add3A_27, %add3A_217 : vector<16xi32>
      tpu.vector_store_idx %arg11[%add3A_218], %gather3A_187 : memref<65536xf32, #tpu.memory_space<vmem>>[vector<16xi32>], vector<16xf32>,
      %add3A_219 = arith.constant 5 : i32
      %add3A_220 = vector.broadcast %add3A_219 : i32 to vector<16xi32>
      %add3A_221 = arith.addi %mul3A_43, %add3A_220 : vector<16xi32>
      %gather3A_222 = tpu.vector_load_idx %arg7[%add3A_221] : memref<6208xf32, #tpu.memory_space<vmem>>[vector<16xi32>], vector<16xf32>,
      %add3A_223 = arith.constant 21 : i32
      %add3A_224 = vector.broadcast %add3A_223 : i32 to vector<16xi32>
      %add3A_225 = arith.addi %add3A_27, %add3A_224 : vector<16xi32>
      tpu.vector_store_idx %arg11[%add3A_225], %gather3A_194 : memref<65536xf32, #tpu.memory_space<vmem>>[vector<16xi32>], vector<16xf32>,
      %add3A_226 = arith.constant 6 : i32
      %add3A_227 = vector.broadcast %add3A_226 : i32 to vector<16xi32>
      %add3A_228 = arith.addi %mul3A_43, %add3A_227 : vector<16xi32>
      %gather3A_229 = tpu.vector_load_idx %arg7[%add3A_228] : memref<6208xf32, #tpu.memory_space<vmem>>[vector<16xi32>], vector<16xf32>,
      %add3A_230 = arith.constant 22 : i32
      %add3A_231 = vector.broadcast %add3A_230 : i32 to vector<16xi32>
      %add3A_232 = arith.addi %add3A_27, %add3A_231 : vector<16xi32>
      tpu.vector_store_idx %arg11[%add3A_232], %gather3A_201 : memref<65536xf32, #tpu.memory_space<vmem>>[vector<16xi32>], vector<16xf32>,
      %add3A_233 = arith.constant 7 : i32
      %add3A_234 = vector.broadcast %add3A_233 : i32 to vector<16xi32>
      %add3A_235 = arith.addi %mul3A_43, %add3A_234 : vector<16xi32>
      %gather3A_236 = tpu.vector_load_idx %arg7[%add3A_235] : memref<6208xf32, #tpu.memory_space<vmem>>[vector<16xi32>], vector<16xf32>,
      %add3A_237 = arith.constant 23 : i32
      %add3A_238 = vector.broadcast %add3A_237 : i32 to vector<16xi32>
      %add3A_239 = arith.addi %add3A_27, %add3A_238 : vector<16xi32>
      tpu.vector_store_idx %arg11[%add3A_239], %gather3A_208 : memref<65536xf32, #tpu.memory_space<vmem>>[vector<16xi32>], vector<16xf32>,
      %add3A_240 = arith.constant 8 : i32
      %add3A_241 = vector.broadcast %add3A_240 : i32 to vector<16xi32>
      %add3A_242 = arith.addi %mul3A_43, %add3A_241 : vector<16xi32>
      %gather3A_243 = tpu.vector_load_idx %arg7[%add3A_242] : memref<6208xf32, #tpu.memory_space<vmem>>[vector<16xi32>], vector<16xf32>,
      %add3A_244 = arith.constant 24 : i32
      %add3A_245 = vector.broadcast %add3A_244 : i32 to vector<16xi32>
      %add3A_246 = arith.addi %add3A_27, %add3A_245 : vector<16xi32>
      tpu.vector_store_idx %arg11[%add3A_246], %gather3A_215 : memref<65536xf32, #tpu.memory_space<vmem>>[vector<16xi32>], vector<16xf32>,
      %add3A_247 = arith.constant 9 : i32
      %add3A_248 = vector.broadcast %add3A_247 : i32 to vector<16xi32>
      %add3A_249 = arith.addi %mul3A_43, %add3A_248 : vector<16xi32>
      %gather3A_250 = tpu.vector_load_idx %arg7[%add3A_249] : memref<6208xf32, #tpu.memory_space<vmem>>[vector<16xi32>], vector<16xf32>,
      %add3A_251 = arith.constant 25 : i32
      %add3A_252 = vector.broadcast %add3A_251 : i32 to vector<16xi32>
      %add3A_253 = arith.addi %add3A_27, %add3A_252 : vector<16xi32>
      tpu.vector_store_idx %arg11[%add3A_253], %gather3A_222 : memref<65536xf32, #tpu.memory_space<vmem>>[vector<16xi32>], vector<16xf32>,
      %add3A_254 = arith.constant 0 : i32
      %add3A_255 = vector.broadcast %add3A_254 : i32 to vector<16xi32>
      %add3A_256 = arith.addi %mul3A_56, %add3A_255 : vector<16xi32>
      %gather3A_257 = tpu.vector_load_idx %arg7[%add3A_256] : memref<6208xf32, #tpu.memory_space<vmem>>[vector<16xi32>], vector<16xf32>,
      %add3A_258 = arith.constant 26 : i32
      %add3A_259 = vector.broadcast %add3A_258 : i32 to vector<16xi32>
      %add3A_260 = arith.addi %add3A_27, %add3A_259 : vector<16xi32>
      tpu.vector_store_idx %arg11[%add3A_260], %gather3A_229 : memref<65536xf32, #tpu.memory_space<vmem>>[vector<16xi32>], vector<16xf32>,
      %add3A_261 = arith.constant 1 : i32
      %add3A_262 = vector.broadcast %add3A_261 : i32 to vector<16xi32>
      %add3A_263 = arith.addi %mul3A_56, %add3A_262 : vector<16xi32>
      %gather3A_264 = tpu.vector_load_idx %arg7[%add3A_263] : memref<6208xf32, #tpu.memory_space<vmem>>[vector<16xi32>], vector<16xf32>,
      %add3A_265 = arith.constant 27 : i32
      %add3A_266 = vector.broadcast %add3A_265 : i32 to vector<16xi32>
      %add3A_267 = arith.addi %add3A_27, %add3A_266 : vector<16xi32>
      tpu.vector_store_idx %arg11[%add3A_267], %gather3A_236 : memref<65536xf32, #tpu.memory_space<vmem>>[vector<16xi32>], vector<16xf32>,
      %add3A_268 = arith.constant 2 : i32
      %add3A_269 = vector.broadcast %add3A_268 : i32 to vector<16xi32>
      %add3A_270 = arith.addi %mul3A_56, %add3A_269 : vector<16xi32>
      %gather3A_271 = tpu.vector_load_idx %arg7[%add3A_270] : memref<6208xf32, #tpu.memory_space<vmem>>[vector<16xi32>], vector<16xf32>,
      %add3A_272 = arith.constant 28 : i32
      %add3A_273 = vector.broadcast %add3A_272 : i32 to vector<16xi32>
      %add3A_274 = arith.addi %add3A_27, %add3A_273 : vector<16xi32>
      tpu.vector_store_idx %arg11[%add3A_274], %gather3A_243 : memref<65536xf32, #tpu.memory_space<vmem>>[vector<16xi32>], vector<16xf32>,
      %add3A_275 = arith.constant 3 : i32
      %add3A_276 = vector.broadcast %add3A_275 : i32 to vector<16xi32>
      %add3A_277 = arith.addi %mul3A_56, %add3A_276 : vector<16xi32>
      %gather3A_278 = tpu.vector_load_idx %arg7[%add3A_277] : memref<6208xf32, #tpu.memory_space<vmem>>[vector<16xi32>], vector<16xf32>,
      %add3A_279 = arith.constant 29 : i32
      %add3A_280 = vector.broadcast %add3A_279 : i32 to vector<16xi32>
      %add3A_281 = arith.addi %add3A_27, %add3A_280 : vector<16xi32>
      tpu.vector_store_idx %arg11[%add3A_281], %gather3A_250 : memref<65536xf32, #tpu.memory_space<vmem>>[vector<16xi32>], vector<16xf32>,
      %add3A_282 = arith.constant 4 : i32
      %add3A_283 = vector.broadcast %add3A_282 : i32 to vector<16xi32>
      %add3A_284 = arith.addi %mul3A_56, %add3A_283 : vector<16xi32>
      %gather3A_285 = tpu.vector_load_idx %arg7[%add3A_284] : memref<6208xf32, #tpu.memory_space<vmem>>[vector<16xi32>], vector<16xf32>,
      %add3A_286 = arith.constant 30 : i32
      %add3A_287 = vector.broadcast %add3A_286 : i32 to vector<16xi32>
      %add3A_288 = arith.addi %add3A_27, %add3A_287 : vector<16xi32>
      tpu.vector_store_idx %arg11[%add3A_288], %gather3A_257 : memref<65536xf32, #tpu.memory_space<vmem>>[vector<16xi32>], vector<16xf32>,
      %add3A_289 = arith.constant 5 : i32
      %add3A_290 = vector.broadcast %add3A_289 : i32 to vector<16xi32>
      %add3A_291 = arith.addi %mul3A_56, %add3A_290 : vector<16xi32>
      %gather3A_292 = tpu.vector_load_idx %arg7[%add3A_291] : memref<6208xf32, #tpu.memory_space<vmem>>[vector<16xi32>], vector<16xf32>,
      %add3A_293 = arith.constant 31 : i32
      %add3A_294 = vector.broadcast %add3A_293 : i32 to vector<16xi32>
      %add3A_295 = arith.addi %add3A_27, %add3A_294 : vector<16xi32>
      tpu.vector_store_idx %arg11[%add3A_295], %gather3A_264 : memref<65536xf32, #tpu.memory_space<vmem>>[vector<16xi32>], vector<16xf32>,
      %add3A_296 = arith.constant 6 : i32
      %add3A_297 = vector.broadcast %add3A_296 : i32 to vector<16xi32>
      %add3A_298 = arith.addi %mul3A_56, %add3A_297 : vector<16xi32>
      %gather3A_299 = tpu.vector_load_idx %arg7[%add3A_298] : memref<6208xf32, #tpu.memory_space<vmem>>[vector<16xi32>], vector<16xf32>,
      %add3A_300 = arith.constant 32 : i32
      %add3A_301 = vector.broadcast %add3A_300 : i32 to vector<16xi32>
      %add3A_302 = arith.addi %add3A_27, %add3A_301 : vector<16xi32>
      tpu.vector_store_idx %arg11[%add3A_302], %gather3A_271 : memref<65536xf32, #tpu.memory_space<vmem>>[vector<16xi32>], vector<16xf32>,
      %add3A_303 = arith.constant 7 : i32
      %add3A_304 = vector.broadcast %add3A_303 : i32 to vector<16xi32>
      %add3A_305 = arith.addi %mul3A_56, %add3A_304 : vector<16xi32>
      %gather3A_306 = tpu.vector_load_idx %arg7[%add3A_305] : memref<6208xf32, #tpu.memory_space<vmem>>[vector<16xi32>], vector<16xf32>,
      %add3A_307 = arith.constant 33 : i32
      %add3A_308 = vector.broadcast %add3A_307 : i32 to vector<16xi32>
      %add3A_309 = arith.addi %add3A_27, %add3A_308 : vector<16xi32>
      tpu.vector_store_idx %arg11[%add3A_309], %gather3A_278 : memref<65536xf32, #tpu.memory_space<vmem>>[vector<16xi32>], vector<16xf32>,
      %add3A_310 = arith.constant 8 : i32
      %add3A_311 = vector.broadcast %add3A_310 : i32 to vector<16xi32>
      %add3A_312 = arith.addi %mul3A_56, %add3A_311 : vector<16xi32>
      %gather3A_313 = tpu.vector_load_idx %arg7[%add3A_312] : memref<6208xf32, #tpu.memory_space<vmem>>[vector<16xi32>], vector<16xf32>,
      %add3A_314 = arith.constant 34 : i32
      %add3A_315 = vector.broadcast %add3A_314 : i32 to vector<16xi32>
      %add3A_316 = arith.addi %add3A_27, %add3A_315 : vector<16xi32>
      tpu.vector_store_idx %arg11[%add3A_316], %gather3A_285 : memref<65536xf32, #tpu.memory_space<vmem>>[vector<16xi32>], vector<16xf32>,
      %add3A_317 = arith.constant 9 : i32
      %add3A_318 = vector.broadcast %add3A_317 : i32 to vector<16xi32>
      %add3A_319 = arith.addi %mul3A_56, %add3A_318 : vector<16xi32>
      %gather3A_320 = tpu.vector_load_idx %arg7[%add3A_319] : memref<6208xf32, #tpu.memory_space<vmem>>[vector<16xi32>], vector<16xf32>,
      %add3A_321 = arith.constant 35 : i32
      %add3A_322 = vector.broadcast %add3A_321 : i32 to vector<16xi32>
      %add3A_323 = arith.addi %add3A_27, %add3A_322 : vector<16xi32>
      tpu.vector_store_idx %arg11[%add3A_323], %gather3A_292 : memref<65536xf32, #tpu.memory_space<vmem>>[vector<16xi32>], vector<16xf32>,
      %add3A_324 = arith.constant 36 : i32
      %add3A_325 = vector.broadcast %add3A_324 : i32 to vector<16xi32>
      %add3A_326 = arith.addi %add3A_27, %add3A_325 : vector<16xi32>
      tpu.vector_store_idx %arg11[%add3A_326], %gather3A_299 : memref<65536xf32, #tpu.memory_space<vmem>>[vector<16xi32>], vector<16xf32>,
      %add3A_327 = arith.constant 37 : i32
      %add3A_328 = vector.broadcast %add3A_327 : i32 to vector<16xi32>
      %add3A_329 = arith.addi %add3A_27, %add3A_328 : vector<16xi32>
      tpu.vector_store_idx %arg11[%add3A_329], %gather3A_306 : memref<65536xf32, #tpu.memory_space<vmem>>[vector<16xi32>], vector<16xf32>,
      %add3A_330 = arith.constant 38 : i32
      %add3A_331 = vector.broadcast %add3A_330 : i32 to vector<16xi32>
      %add3A_332 = arith.addi %add3A_27, %add3A_331 : vector<16xi32>
      tpu.vector_store_idx %arg11[%add3A_332], %gather3A_313 : memref<65536xf32, #tpu.memory_space<vmem>>[vector<16xi32>], vector<16xf32>,
      %add3A_333 = arith.constant 39 : i32
      %add3A_334 = vector.broadcast %add3A_333 : i32 to vector<16xi32>
      %add3A_335 = arith.addi %add3A_27, %add3A_334 : vector<16xi32>
      tpu.vector_store_idx %arg11[%add3A_335], %gather3A_320 : memref<65536xf32, #tpu.memory_space<vmem>>[vector<16xi32>], vector<16xf32>,
    }
    %scan3A_20 = arith.constant 32 : i32
    %mul3A_21 = arith.constant 128 : i32
    %mul3A_22 = arith.muli %mul3A_2, %mul3A_21 : i32
    "tpu.region"() ({
      %run_scoped3A = tpu.sem_alloc : memref<!tpu.dma_semaphore, #tpu.memory_space<semaphore_mem>>
      %dma_start3A_23 = tpu.memref_slice %arg6[%mul3A_22] : memref<2097152xf32, #tpu.memory_space<hbm>> -> memref<65536xf32, #tpu.memory_space<hbm>>
      %dma_start3A_24 = tpu.memref_slice %arg6[%mul3A_22] : memref<2097152xf32, #tpu.memory_space<hbm>> -> memref<65536xf32, #tpu.memory_space<hbm>>
      tpu.enqueue_dma source(%arg11 : memref<65536xf32, #tpu.memory_space<vmem>>) target(%dma_start3A_24 : memref<65536xf32, #tpu.memory_space<hbm>>) target_semaphore(%run_scoped3A : memref<!tpu.dma_semaphore, #tpu.memory_space<semaphore_mem>>)
      %dma_wait3A_25 = tpu.memref_slice %arg6[%mul3A_22] : memref<2097152xf32, #tpu.memory_space<hbm>> -> memref<65536xf32, #tpu.memory_space<hbm>>
      %dma_wait3A_26 = tpu.memref_slice %arg6[%mul3A_22] : memref<2097152xf32, #tpu.memory_space<hbm>> -> memref<65536xf32, #tpu.memory_space<hbm>>
      tpu.wait_dma2 semaphore(%run_scoped3A : memref<!tpu.dma_semaphore, #tpu.memory_space<semaphore_mem>>) src(%arg11 : memref<65536xf32, #tpu.memory_space<vmem>>) dst(%dma_wait3A_26 : memref<65536xf32, #tpu.memory_space<hbm>>)
      tpu.yield
    }) : () -> ()
    return
  }
}

module attributes {stable_mosaic.version = 14 : i64} {
  func.func @_mlp_body(%arg0: i32, %arg1: i32, %arg2: memref<8192x23xbf16, #tpu.memory_space<vmem>>, %arg3: memref<1048576xf32, #tpu.memory_space<vmem>>, %arg4: memref<23x50xbf16, #tpu.memory_space<vmem>>, %arg5: memref<40x50xbf16, #tpu.memory_space<vmem>>, %arg6: memref<1x50xf32, #tpu.memory_space<vmem>>, %arg7: memref<1x50xf32, #tpu.memory_space<vmem>>, %arg8: memref<1x50xf32, #tpu.memory_space<vmem>>, %arg9: memref<50x30xbf16, #tpu.memory_space<vmem>>, %arg10: memref<1x30xf32, #tpu.memory_space<vmem>>, %arg11: memref<1x30xf32, #tpu.memory_space<vmem>>, %arg12: memref<1x30xf32, #tpu.memory_space<vmem>>, %arg13: memref<30x1xf32, #tpu.memory_space<vmem>>, %arg14: memref<1x1xf32, #tpu.memory_space<vmem>>, %arg15: memref<8192x1xf32, #tpu.memory_space<vmem>>, %arg16: memref<16384x50xf32, #tpu.memory_space<vmem>>, %arg17: memref<16384x30xf32, #tpu.memory_space<vmem>>, %arg18: memref<1x50xf32, #tpu.memory_space<vmem>>, %arg19: memref<1x50xf32, #tpu.memory_space<vmem>>, %arg20: memref<1x30xf32, #tpu.memory_space<vmem>>, %arg21: memref<1x30xf32, #tpu.memory_space<vmem>>) attributes {dimension_semantics = [#tpu.dimension_semantics<arbitrary>, #tpu.dimension_semantics<arbitrary>], iteration_bounds = array<i64: 3, 2>, scalar_prefetch = 0 : i64, scratch_operands = 6 : i64, tpu.core_type = #tpu.core_type<tc>, window_params = [{transform_indices = @transform_0, window_bounds = array<i64: 8192, 23>}, {transform_indices = @transform_1, window_bounds = array<i64: 1048576>}, {pipeline_mode = #tpu.pipeline_mode<synchronous>, transform_indices = @transform_2, window_bounds = array<i64: 23, 50>}, {pipeline_mode = #tpu.pipeline_mode<synchronous>, transform_indices = @transform_3, window_bounds = array<i64: 40, 50>}, {pipeline_mode = #tpu.pipeline_mode<synchronous>, transform_indices = @transform_4, window_bounds = array<i64: 1, 50>}, {pipeline_mode = #tpu.pipeline_mode<synchronous>, transform_indices = @transform_5, window_bounds = array<i64: 1, 50>}, {pipeline_mode = #tpu.pipeline_mode<synchronous>, transform_indices = @transform_6, window_bounds = array<i64: 1, 50>}, {pipeline_mode = #tpu.pipeline_mode<synchronous>, transform_indices = @transform_7, window_bounds = array<i64: 50, 30>}, {pipeline_mode = #tpu.pipeline_mode<synchronous>, transform_indices = @transform_8, window_bounds = array<i64: 1, 30>}, {pipeline_mode = #tpu.pipeline_mode<synchronous>, transform_indices = @transform_9, window_bounds = array<i64: 1, 30>}, {pipeline_mode = #tpu.pipeline_mode<synchronous>, transform_indices = @transform_10, window_bounds = array<i64: 1, 30>}, {pipeline_mode = #tpu.pipeline_mode<synchronous>, transform_indices = @transform_11, window_bounds = array<i64: 30, 1>}, {pipeline_mode = #tpu.pipeline_mode<synchronous>, transform_indices = @transform_12, window_bounds = array<i64: 1, 1>}, {transform_indices = @transform_13, window_bounds = array<i64: 8192, 1>}]} {
    %mul3A = arith.constant 8192 : i32
    %mul3A_0 = arith.muli %arg1, %mul3A : i32
    %eq3A = arith.constant 0 : i32
    %eq3A_1 = arith.cmpi eq, %arg0, %eq3A : i32
    %convert_element_type3A = arith.extui %eq3A_1 : i1 to i32
    %cond3A = arith.constant 0 : i32
    %cond3A_2 = arith.cmpi ne, %convert_element_type3A, %cond3A : i32
    scf.if %cond3A_2 {
      %get3A = arith.constant 0 : index
      %get3A_13 = arith.constant 0 : index
      %get3A_14 = vector.load %arg2[%get3A, %get3A_13] : memref<8192x23xbf16, #tpu.memory_space<vmem>>, vector<8192x23xbf16>
      %get3A_15 = arith.constant 0 : index
      %get3A_16 = arith.constant 0 : index
      %get3A_17 = vector.load %arg4[%get3A_15, %get3A_16] : memref<23x50xbf16, #tpu.memory_space<vmem>>, vector<23x50xbf16>
      %dot_general3A = arith.constant dense<0.000000e+00> : vector<8192x50xf32>
      %dot_general3A_18 = tpu.matmul %get3A_14, %get3A_17, %dot_general3A {dimension_numbers = #tpu.dot_dimension_numbers<[1], [0], [0], [1], [0, 0, 1, 1], [], []>, transpose_lhs_hint = false} : vector<8192x23xbf16>, vector<23x50xbf16>, vector<8192x50xf32> -> vector<8192x50xf32>
      %get3A_19 = arith.constant 0 : index
      %get3A_20 = vector.load %arg3[%get3A_19] : memref<1048576xf32, #tpu.memory_space<vmem>>, vector<1048576xf32>
      %reshape3A = vector.shape_cast %get3A_20 : vector<1048576xf32> to vector<8192x128xf32>
      %slice3A = vector.extract_strided_slice %reshape3A {offsets = [0, 0], sizes = [8192, 40], strides = [1, 1]} : vector<8192x128xf32> to vector<8192x40xf32>
      %convert_element_type3A_21 = arith.truncf %slice3A : vector<8192x40xf32> to vector<8192x40xbf16>
      %get3A_22 = arith.constant 0 : index
      %get3A_23 = arith.constant 0 : index
      %get3A_24 = vector.load %arg5[%get3A_22, %get3A_23] : memref<40x50xbf16, #tpu.memory_space<vmem>>, vector<40x50xbf16>
      %dot_general3A_25 = arith.constant dense<0.000000e+00> : vector<8192x50xf32>
      %dot_general3A_26 = tpu.matmul %convert_element_type3A_21, %get3A_24, %dot_general3A_25 {dimension_numbers = #tpu.dot_dimension_numbers<[1], [0], [0], [1], [0, 0, 1, 1], [], []>, transpose_lhs_hint = false} : vector<8192x40xbf16>, vector<40x50xbf16>, vector<8192x50xf32> -> vector<8192x50xf32>
      %add3A = arith.addf %dot_general3A_18, %dot_general3A_26 : vector<8192x50xf32>
      %get3A_27 = arith.constant 0 : index
      %get3A_28 = arith.constant 0 : index
      %get3A_29 = vector.load %arg6[%get3A_27, %get3A_28] : memref<1x50xf32, #tpu.memory_space<vmem>>, vector<1x50xf32>
      %add3A_30 = vector.broadcast %get3A_29 : vector<1x50xf32> to vector<8192x50xf32>
      %add3A_31 = arith.addf %add3A, %add3A_30 : vector<8192x50xf32>
      %max3A = arith.constant 0.000000e+00 : f32
      %max3A_32 = vector.broadcast %max3A : f32 to vector<8192x50xf32>
      %max3A_33 = arith.maximumf %add3A_31, %max3A_32 : vector<8192x50xf32>
      %swap3A = arith.index_cast %mul3A_0 : i32 to index
      %swap3A_34 = arith.constant 0 : index
      %swap3A_35 = vector.load %arg16[%swap3A, %swap3A_34] : memref<16384x50xf32, #tpu.memory_space<vmem>>, vector<8192x50xf32>
      tpu.vector_store %arg16[%swap3A, %swap3A_34], %max3A_33 {strides = array<i32>} : memref<16384x50xf32, #tpu.memory_space<vmem>>, vector<8192x50xf32>,
      %reduce_sum3A = arith.constant dense<0.000000e+00> : vector<50xf32>
      %reduce_sum3A_36 = vector.multi_reduction <add>, %max3A_33, %reduce_sum3A [0] : vector<8192x50xf32> to vector<50xf32>
      %broadcast_in_dim3A = vector.shape_cast %reduce_sum3A_36 : vector<50xf32> to vector<1x50xf32>
      %mul3A_37 = arith.mulf %max3A_33, %max3A_33 : vector<8192x50xf32>
      %reduce_sum3A_38 = arith.constant dense<0.000000e+00> : vector<50xf32>
      %reduce_sum3A_39 = vector.multi_reduction <add>, %mul3A_37, %reduce_sum3A_38 [0] : vector<8192x50xf32> to vector<50xf32>
      %broadcast_in_dim3A_40 = vector.shape_cast %reduce_sum3A_39 : vector<50xf32> to vector<1x50xf32>
      %eq3A_41 = arith.constant 0 : i32
      %eq3A_42 = arith.cmpi eq, %arg1, %eq3A_41 : i32
      %convert_element_type3A_43 = arith.extui %eq3A_42 : i1 to i32
      %cond3A_44 = arith.constant 0 : i32
      %cond3A_45 = arith.cmpi ne, %convert_element_type3A_43, %cond3A_44 : i32
      scf.if %cond3A_45 {
        %swap3A_50 = arith.constant 0 : index
        %swap3A_51 = arith.constant 0 : index
        %swap3A_52 = vector.load %arg18[%swap3A_50, %swap3A_51] : memref<1x50xf32, #tpu.memory_space<vmem>>, vector<1x50xf32>
        tpu.vector_store %arg18[%swap3A_50, %swap3A_51], %broadcast_in_dim3A {strides = array<i32>} : memref<1x50xf32, #tpu.memory_space<vmem>>, vector<1x50xf32>,
        %swap3A_53 = arith.constant 0 : index
        %swap3A_54 = arith.constant 0 : index
        %swap3A_55 = vector.load %arg19[%swap3A_53, %swap3A_54] : memref<1x50xf32, #tpu.memory_space<vmem>>, vector<1x50xf32>
        tpu.vector_store %arg19[%swap3A_53, %swap3A_54], %broadcast_in_dim3A_40 {strides = array<i32>} : memref<1x50xf32, #tpu.memory_space<vmem>>, vector<1x50xf32>,
      } else {
      }
      %gt3A = arith.constant 0 : i32
      %gt3A_46 = arith.cmpi sgt, %arg1, %gt3A : i32
      %convert_element_type3A_47 = arith.extui %gt3A_46 : i1 to i32
      %cond3A_48 = arith.constant 0 : i32
      %cond3A_49 = arith.cmpi ne, %convert_element_type3A_47, %cond3A_48 : i32
      scf.if %cond3A_49 {
        %get3A_50 = arith.constant 0 : index
        %get3A_51 = arith.constant 0 : index
        %get3A_52 = vector.load %arg18[%get3A_50, %get3A_51] : memref<1x50xf32, #tpu.memory_space<vmem>>, vector<1x50xf32>
        %add3A_53 = arith.addf %get3A_52, %broadcast_in_dim3A : vector<1x50xf32>
        %swap3A_54 = arith.constant 0 : index
        %swap3A_55 = arith.constant 0 : index
        %swap3A_56 = vector.load %arg18[%swap3A_54, %swap3A_55] : memref<1x50xf32, #tpu.memory_space<vmem>>, vector<1x50xf32>
        tpu.vector_store %arg18[%swap3A_54, %swap3A_55], %add3A_53 {strides = array<i32>} : memref<1x50xf32, #tpu.memory_space<vmem>>, vector<1x50xf32>,
        %get3A_57 = arith.constant 0 : index
        %get3A_58 = arith.constant 0 : index
        %get3A_59 = vector.load %arg19[%get3A_57, %get3A_58] : memref<1x50xf32, #tpu.memory_space<vmem>>, vector<1x50xf32>
        %add3A_60 = arith.addf %get3A_59, %broadcast_in_dim3A_40 : vector<1x50xf32>
        %swap3A_61 = arith.constant 0 : index
        %swap3A_62 = arith.constant 0 : index
        %swap3A_63 = vector.load %arg19[%swap3A_61, %swap3A_62] : memref<1x50xf32, #tpu.memory_space<vmem>>, vector<1x50xf32>
        tpu.vector_store %arg19[%swap3A_61, %swap3A_62], %add3A_60 {strides = array<i32>} : memref<1x50xf32, #tpu.memory_space<vmem>>, vector<1x50xf32>,
      } else {
      }
    } else {
    }
    %eq3A_3 = arith.constant 1 : i32
    %eq3A_4 = arith.cmpi eq, %arg0, %eq3A_3 : i32
    %convert_element_type3A_5 = arith.extui %eq3A_4 : i1 to i32
    %cond3A_6 = arith.constant 0 : i32
    %cond3A_7 = arith.cmpi ne, %convert_element_type3A_5, %cond3A_6 : i32
    scf.if %cond3A_7 {
      %get3A = arith.constant 0 : index
      %get3A_13 = arith.constant 0 : index
      %get3A_14 = vector.load %arg18[%get3A, %get3A_13] : memref<1x50xf32, #tpu.memory_space<vmem>>, vector<1x50xf32>
      %mul3A_15 = arith.constant 6.10351563E-5 : f32
      %mul3A_16 = vector.broadcast %mul3A_15 : f32 to vector<1x50xf32>
      %mul3A_17 = arith.mulf %get3A_14, %mul3A_16 : vector<1x50xf32>
      %get3A_18 = arith.constant 0 : index
      %get3A_19 = arith.constant 0 : index
      %get3A_20 = vector.load %arg19[%get3A_18, %get3A_19] : memref<1x50xf32, #tpu.memory_space<vmem>>, vector<1x50xf32>
      %mul3A_21 = arith.constant 6.10351563E-5 : f32
      %mul3A_22 = vector.broadcast %mul3A_21 : f32 to vector<1x50xf32>
      %mul3A_23 = arith.mulf %get3A_20, %mul3A_22 : vector<1x50xf32>
      %mul3A_24 = arith.mulf %mul3A_17, %mul3A_17 : vector<1x50xf32>
      %sub3A = arith.subf %mul3A_23, %mul3A_24 : vector<1x50xf32>
      %get3A_25 = arith.constant 0 : index
      %get3A_26 = arith.constant 0 : index
      %get3A_27 = vector.load %arg7[%get3A_25, %get3A_26] : memref<1x50xf32, #tpu.memory_space<vmem>>, vector<1x50xf32>
      %add3A = arith.constant 9.99999974E-6 : f32
      %add3A_28 = vector.broadcast %add3A : f32 to vector<1x50xf32>
      %add3A_29 = arith.addf %sub3A, %add3A_28 : vector<1x50xf32>
      %rsqrt3A = math.rsqrt %add3A_29 : vector<1x50xf32>
      %mul3A_30 = arith.mulf %get3A_27, %rsqrt3A : vector<1x50xf32>
      %get3A_31 = arith.constant 0 : index
      %get3A_32 = arith.constant 0 : index
      %get3A_33 = vector.load %arg8[%get3A_31, %get3A_32] : memref<1x50xf32, #tpu.memory_space<vmem>>, vector<1x50xf32>
      %mul3A_34 = arith.mulf %mul3A_17, %mul3A_30 : vector<1x50xf32>
      %sub3A_35 = arith.subf %get3A_33, %mul3A_34 : vector<1x50xf32>
      %get3A_36 = arith.index_cast %mul3A_0 : i32 to index
      %get3A_37 = arith.constant 0 : index
      %get3A_38 = vector.load %arg16[%get3A_36, %get3A_37] : memref<16384x50xf32, #tpu.memory_space<vmem>>, vector<8192x50xf32>
      %mul3A_39 = vector.broadcast %mul3A_30 : vector<1x50xf32> to vector<8192x50xf32>
      %mul3A_40 = arith.mulf %get3A_38, %mul3A_39 : vector<8192x50xf32>
      %add3A_41 = vector.broadcast %sub3A_35 : vector<1x50xf32> to vector<8192x50xf32>
      %add3A_42 = arith.addf %mul3A_40, %add3A_41 : vector<8192x50xf32>
      %convert_element_type3A_43 = arith.truncf %add3A_42 : vector<8192x50xf32> to vector<8192x50xbf16>
      %get3A_44 = arith.constant 0 : index
      %get3A_45 = arith.constant 0 : index
      %get3A_46 = vector.load %arg9[%get3A_44, %get3A_45] : memref<50x30xbf16, #tpu.memory_space<vmem>>, vector<50x30xbf16>
      %dot_general3A = arith.constant dense<0.000000e+00> : vector<8192x30xf32>
      %dot_general3A_47 = tpu.matmul %convert_element_type3A_43, %get3A_46, %dot_general3A {dimension_numbers = #tpu.dot_dimension_numbers<[1], [0], [0], [1], [0, 0, 1, 1], [], []>, transpose_lhs_hint = false} : vector<8192x50xbf16>, vector<50x30xbf16>, vector<8192x30xf32> -> vector<8192x30xf32>
      %get3A_48 = arith.constant 0 : index
      %get3A_49 = arith.constant 0 : index
      %get3A_50 = vector.load %arg10[%get3A_48, %get3A_49] : memref<1x30xf32, #tpu.memory_space<vmem>>, vector<1x30xf32>
      %add3A_51 = vector.broadcast %get3A_50 : vector<1x30xf32> to vector<8192x30xf32>
      %add3A_52 = arith.addf %dot_general3A_47, %add3A_51 : vector<8192x30xf32>
      %max3A = arith.constant 0.000000e+00 : f32
      %max3A_53 = vector.broadcast %max3A : f32 to vector<8192x30xf32>
      %max3A_54 = arith.maximumf %add3A_52, %max3A_53 : vector<8192x30xf32>
      %swap3A = arith.index_cast %mul3A_0 : i32 to index
      %swap3A_55 = arith.constant 0 : index
      %swap3A_56 = vector.load %arg17[%swap3A, %swap3A_55] : memref<16384x30xf32, #tpu.memory_space<vmem>>, vector<8192x30xf32>
      tpu.vector_store %arg17[%swap3A, %swap3A_55], %max3A_54 {strides = array<i32>} : memref<16384x30xf32, #tpu.memory_space<vmem>>, vector<8192x30xf32>,
      %reduce_sum3A = arith.constant dense<0.000000e+00> : vector<30xf32>
      %reduce_sum3A_57 = vector.multi_reduction <add>, %max3A_54, %reduce_sum3A [0] : vector<8192x30xf32> to vector<30xf32>
      %broadcast_in_dim3A = vector.shape_cast %reduce_sum3A_57 : vector<30xf32> to vector<1x30xf32>
      %mul3A_58 = arith.mulf %max3A_54, %max3A_54 : vector<8192x30xf32>
      %reduce_sum3A_59 = arith.constant dense<0.000000e+00> : vector<30xf32>
      %reduce_sum3A_60 = vector.multi_reduction <add>, %mul3A_58, %reduce_sum3A_59 [0] : vector<8192x30xf32> to vector<30xf32>
      %broadcast_in_dim3A_61 = vector.shape_cast %reduce_sum3A_60 : vector<30xf32> to vector<1x30xf32>
      %eq3A_62 = arith.constant 0 : i32
      %eq3A_63 = arith.cmpi eq, %arg1, %eq3A_62 : i32
      %convert_element_type3A_64 = arith.extui %eq3A_63 : i1 to i32
      %cond3A_65 = arith.constant 0 : i32
      %cond3A_66 = arith.cmpi ne, %convert_element_type3A_64, %cond3A_65 : i32
      scf.if %cond3A_66 {
        %swap3A_71 = arith.constant 0 : index
        %swap3A_72 = arith.constant 0 : index
        %swap3A_73 = vector.load %arg20[%swap3A_71, %swap3A_72] : memref<1x30xf32, #tpu.memory_space<vmem>>, vector<1x30xf32>
        tpu.vector_store %arg20[%swap3A_71, %swap3A_72], %broadcast_in_dim3A {strides = array<i32>} : memref<1x30xf32, #tpu.memory_space<vmem>>, vector<1x30xf32>,
        %swap3A_74 = arith.constant 0 : index
        %swap3A_75 = arith.constant 0 : index
        %swap3A_76 = vector.load %arg21[%swap3A_74, %swap3A_75] : memref<1x30xf32, #tpu.memory_space<vmem>>, vector<1x30xf32>
        tpu.vector_store %arg21[%swap3A_74, %swap3A_75], %broadcast_in_dim3A_61 {strides = array<i32>} : memref<1x30xf32, #tpu.memory_space<vmem>>, vector<1x30xf32>,
      } else {
      }
      %gt3A = arith.constant 0 : i32
      %gt3A_67 = arith.cmpi sgt, %arg1, %gt3A : i32
      %convert_element_type3A_68 = arith.extui %gt3A_67 : i1 to i32
      %cond3A_69 = arith.constant 0 : i32
      %cond3A_70 = arith.cmpi ne, %convert_element_type3A_68, %cond3A_69 : i32
      scf.if %cond3A_70 {
        %get3A_71 = arith.constant 0 : index
        %get3A_72 = arith.constant 0 : index
        %get3A_73 = vector.load %arg20[%get3A_71, %get3A_72] : memref<1x30xf32, #tpu.memory_space<vmem>>, vector<1x30xf32>
        %add3A_74 = arith.addf %get3A_73, %broadcast_in_dim3A : vector<1x30xf32>
        %swap3A_75 = arith.constant 0 : index
        %swap3A_76 = arith.constant 0 : index
        %swap3A_77 = vector.load %arg20[%swap3A_75, %swap3A_76] : memref<1x30xf32, #tpu.memory_space<vmem>>, vector<1x30xf32>
        tpu.vector_store %arg20[%swap3A_75, %swap3A_76], %add3A_74 {strides = array<i32>} : memref<1x30xf32, #tpu.memory_space<vmem>>, vector<1x30xf32>,
        %get3A_78 = arith.constant 0 : index
        %get3A_79 = arith.constant 0 : index
        %get3A_80 = vector.load %arg21[%get3A_78, %get3A_79] : memref<1x30xf32, #tpu.memory_space<vmem>>, vector<1x30xf32>
        %add3A_81 = arith.addf %get3A_80, %broadcast_in_dim3A_61 : vector<1x30xf32>
        %swap3A_82 = arith.constant 0 : index
        %swap3A_83 = arith.constant 0 : index
        %swap3A_84 = vector.load %arg21[%swap3A_82, %swap3A_83] : memref<1x30xf32, #tpu.memory_space<vmem>>, vector<1x30xf32>
        tpu.vector_store %arg21[%swap3A_82, %swap3A_83], %add3A_81 {strides = array<i32>} : memref<1x30xf32, #tpu.memory_space<vmem>>, vector<1x30xf32>,
      } else {
      }
    } else {
    }
    %eq3A_8 = arith.constant 2 : i32
    %eq3A_9 = arith.cmpi eq, %arg0, %eq3A_8 : i32
    %convert_element_type3A_10 = arith.extui %eq3A_9 : i1 to i32
    %cond3A_11 = arith.constant 0 : i32
    %cond3A_12 = arith.cmpi ne, %convert_element_type3A_10, %cond3A_11 : i32
    scf.if %cond3A_12 {
      %get3A = arith.constant 0 : index
      %get3A_13 = arith.constant 0 : index
      %get3A_14 = vector.load %arg20[%get3A, %get3A_13] : memref<1x30xf32, #tpu.memory_space<vmem>>, vector<1x30xf32>
      %mul3A_15 = arith.constant 6.10351563E-5 : f32
      %mul3A_16 = vector.broadcast %mul3A_15 : f32 to vector<1x30xf32>
      %mul3A_17 = arith.mulf %get3A_14, %mul3A_16 : vector<1x30xf32>
      %get3A_18 = arith.constant 0 : index
      %get3A_19 = arith.constant 0 : index
      %get3A_20 = vector.load %arg21[%get3A_18, %get3A_19] : memref<1x30xf32, #tpu.memory_space<vmem>>, vector<1x30xf32>
      %mul3A_21 = arith.constant 6.10351563E-5 : f32
      %mul3A_22 = vector.broadcast %mul3A_21 : f32 to vector<1x30xf32>
      %mul3A_23 = arith.mulf %get3A_20, %mul3A_22 : vector<1x30xf32>
      %mul3A_24 = arith.mulf %mul3A_17, %mul3A_17 : vector<1x30xf32>
      %sub3A = arith.subf %mul3A_23, %mul3A_24 : vector<1x30xf32>
      %get3A_25 = arith.constant 0 : index
      %get3A_26 = arith.constant 0 : index
      %get3A_27 = vector.load %arg11[%get3A_25, %get3A_26] : memref<1x30xf32, #tpu.memory_space<vmem>>, vector<1x30xf32>
      %add3A = arith.constant 9.99999974E-6 : f32
      %add3A_28 = vector.broadcast %add3A : f32 to vector<1x30xf32>
      %add3A_29 = arith.addf %sub3A, %add3A_28 : vector<1x30xf32>
      %rsqrt3A = math.rsqrt %add3A_29 : vector<1x30xf32>
      %mul3A_30 = arith.mulf %get3A_27, %rsqrt3A : vector<1x30xf32>
      %get3A_31 = arith.constant 0 : index
      %get3A_32 = arith.constant 0 : index
      %get3A_33 = vector.load %arg12[%get3A_31, %get3A_32] : memref<1x30xf32, #tpu.memory_space<vmem>>, vector<1x30xf32>
      %mul3A_34 = arith.mulf %mul3A_17, %mul3A_30 : vector<1x30xf32>
      %sub3A_35 = arith.subf %get3A_33, %mul3A_34 : vector<1x30xf32>
      %get3A_36 = arith.index_cast %mul3A_0 : i32 to index
      %get3A_37 = arith.constant 0 : index
      %get3A_38 = vector.load %arg17[%get3A_36, %get3A_37] : memref<16384x30xf32, #tpu.memory_space<vmem>>, vector<8192x30xf32>
      %mul3A_39 = vector.broadcast %mul3A_30 : vector<1x30xf32> to vector<8192x30xf32>
      %mul3A_40 = arith.mulf %get3A_38, %mul3A_39 : vector<8192x30xf32>
      %add3A_41 = vector.broadcast %sub3A_35 : vector<1x30xf32> to vector<8192x30xf32>
      %add3A_42 = arith.addf %mul3A_40, %add3A_41 : vector<8192x30xf32>
      %get3A_43 = arith.constant 0 : index
      %get3A_44 = arith.constant 0 : index
      %get3A_45 = vector.load %arg13[%get3A_43, %get3A_44] : memref<30x1xf32, #tpu.memory_space<vmem>>, vector<30x1xf32>
      %dot_general3A = arith.constant dense<0.000000e+00> : vector<8192x1xf32>
      %dot_general3A_46 = tpu.matmul %add3A_42, %get3A_45, %dot_general3A {dimension_numbers = #tpu.dot_dimension_numbers<[1], [0], [0], [1], [0, 0, 1, 1], [], []>, transpose_lhs_hint = false} : vector<8192x30xf32>, vector<30x1xf32>, vector<8192x1xf32> -> vector<8192x1xf32>
      %get3A_47 = arith.constant 0 : index
      %get3A_48 = arith.constant 0 : index
      %get3A_49 = vector.load %arg14[%get3A_47, %get3A_48] : memref<1x1xf32, #tpu.memory_space<vmem>>, vector<1x1xf32>
      %add3A_50 = vector.broadcast %get3A_49 : vector<1x1xf32> to vector<8192x1xf32>
      %add3A_51 = arith.addf %dot_general3A_46, %add3A_50 : vector<8192x1xf32>
      %swap3A = arith.constant 0 : index
      %swap3A_52 = arith.constant 0 : index
      %swap3A_53 = vector.load %arg15[%swap3A, %swap3A_52] : memref<8192x1xf32, #tpu.memory_space<vmem>>, vector<8192x1xf32>
      tpu.vector_store %arg15[%swap3A, %swap3A_52], %add3A_51 {strides = array<i32>} : memref<8192x1xf32, #tpu.memory_space<vmem>>, vector<8192x1xf32>,
    } else {
    }
    return
  }
  func.func @transform_0(%arg0: i32, %arg1: i32) -> (i32, i32) {
    %eq3A = arith.constant 0 : i32
    %eq3A_0 = arith.cmpi eq, %arg0, %eq3A : i32
    %jit3A = arith.constant 0 : i32
    %select_n3A = arith.select %eq3A_0, %arg1, %jit3A : i32
    %c0_i32 = arith.constant 0 : i32
    %c0_i32_1 = arith.constant 0 : i32
    return %select_n3A, %c0_i32 : i32, i32
  }
  func.func @transform_1(%arg0: i32, %arg1: i32) -> i32 {
    %eq3A = arith.constant 0 : i32
    %eq3A_0 = arith.cmpi eq, %arg0, %eq3A : i32
    %jit3A = arith.constant 0 : i32
    %select_n3A = arith.select %eq3A_0, %arg1, %jit3A : i32
    %c0_i32 = arith.constant 0 : i32
    return %select_n3A : i32
  }
  func.func @transform_2(%arg0: i32, %arg1: i32) -> (i32, i32) {
    %c0_i32 = arith.constant 0 : i32
    %c0_i32_0 = arith.constant 0 : i32
    %c0_i32_1 = arith.constant 0 : i32
    return %c0_i32, %c0_i32_0 : i32, i32
  }
  func.func @transform_3(%arg0: i32, %arg1: i32) -> (i32, i32) {
    %c0_i32 = arith.constant 0 : i32
    %c0_i32_0 = arith.constant 0 : i32
    %c0_i32_1 = arith.constant 0 : i32
    return %c0_i32, %c0_i32_0 : i32, i32
  }
  func.func @transform_4(%arg0: i32, %arg1: i32) -> (i32, i32) {
    %c0_i32 = arith.constant 0 : i32
    %c0_i32_0 = arith.constant 0 : i32
    %c0_i32_1 = arith.constant 0 : i32
    return %c0_i32, %c0_i32_0 : i32, i32
  }
  func.func @transform_5(%arg0: i32, %arg1: i32) -> (i32, i32) {
    %c0_i32 = arith.constant 0 : i32
    %c0_i32_0 = arith.constant 0 : i32
    %c0_i32_1 = arith.constant 0 : i32
    return %c0_i32, %c0_i32_0 : i32, i32
  }
  func.func @transform_6(%arg0: i32, %arg1: i32) -> (i32, i32) {
    %c0_i32 = arith.constant 0 : i32
    %c0_i32_0 = arith.constant 0 : i32
    %c0_i32_1 = arith.constant 0 : i32
    return %c0_i32, %c0_i32_0 : i32, i32
  }
  func.func @transform_7(%arg0: i32, %arg1: i32) -> (i32, i32) {
    %c0_i32 = arith.constant 0 : i32
    %c0_i32_0 = arith.constant 0 : i32
    %c0_i32_1 = arith.constant 0 : i32
    return %c0_i32, %c0_i32_0 : i32, i32
  }
  func.func @transform_8(%arg0: i32, %arg1: i32) -> (i32, i32) {
    %c0_i32 = arith.constant 0 : i32
    %c0_i32_0 = arith.constant 0 : i32
    %c0_i32_1 = arith.constant 0 : i32
    return %c0_i32, %c0_i32_0 : i32, i32
  }
  func.func @transform_9(%arg0: i32, %arg1: i32) -> (i32, i32) {
    %c0_i32 = arith.constant 0 : i32
    %c0_i32_0 = arith.constant 0 : i32
    %c0_i32_1 = arith.constant 0 : i32
    return %c0_i32, %c0_i32_0 : i32, i32
  }
  func.func @transform_10(%arg0: i32, %arg1: i32) -> (i32, i32) {
    %c0_i32 = arith.constant 0 : i32
    %c0_i32_0 = arith.constant 0 : i32
    %c0_i32_1 = arith.constant 0 : i32
    return %c0_i32, %c0_i32_0 : i32, i32
  }
  func.func @transform_11(%arg0: i32, %arg1: i32) -> (i32, i32) {
    %c0_i32 = arith.constant 0 : i32
    %c0_i32_0 = arith.constant 0 : i32
    %c0_i32_1 = arith.constant 0 : i32
    return %c0_i32, %c0_i32_0 : i32, i32
  }
  func.func @transform_12(%arg0: i32, %arg1: i32) -> (i32, i32) {
    %c0_i32 = arith.constant 0 : i32
    %c0_i32_0 = arith.constant 0 : i32
    %c0_i32_1 = arith.constant 0 : i32
    return %c0_i32, %c0_i32_0 : i32, i32
  }
  func.func @transform_13(%arg0: i32, %arg1: i32) -> (i32, i32) {
    %eq3A = arith.constant 2 : i32
    %eq3A_0 = arith.cmpi eq, %arg0, %eq3A : i32
    %jit3A = arith.constant 0 : i32
    %select_n3A = arith.select %eq3A_0, %arg1, %jit3A : i32
    %c0_i32 = arith.constant 0 : i32
    %c0_i32_1 = arith.constant 0 : i32
    return %select_n3A, %c0_i32 : i32, i32
  }
}

</mosaic_0001>

<sc_bundles>
// kernel: kernel.4.cloned.1.call-start
scs
__scs_entry_jumppad:
0x0: {  	(pc) =	sbr.rel $0x88, $3  }
0x1: {  	(tag) =	ssettag $0x0;
	lr =	simm.s32 $0x1  }
0x2: {  	[smem:$0x3F93] =	sst lr;
	_ =	strace $0xD0000000  }
0x3: {  	_ = 	snop  }
0x4: {  	_ = 	snop  }
0x5: {  	_ = 	snop  }
0x6: {  	_ = 	snop  }
0x7: {  	_ = 	snop  }
__scs_overlays_trampoline_lowered:
0x8: {  	[smem:$0x3FA2] =	sst s0  }
0x9: {  	[smem:$0x3FA3] =	sst s1  }
0xa: {  	[smem:$0x3FA4] =	sst s2  }
0xb: {  	[smem:$0x3FA5] =	sst s3  }
0xc: {  	[smem:$0x3FA6] =	sst s4  }
0xd: {  	[smem:$0x3FA7] =	sst s5  }
0xe: {  	[smem:$0x3FA8] =	sst s6  }
0xf: {  	[smem:$0x3FA9] =	sst s7  }
0x10: {  	[smem:$0x3FAA] =	sst s8  }
0x11: {  	[smem:$0x3FAB] =	sst s9;
	s0 =	simm.s32 @!p0 $0x0  }
0x12: {  	s1 =	sld [smem:$0x3F91];
	s0 =	simm.s32 @p0 $0x1  }
0x13: {  	[smem:$0x3FAC] =	sst s0;
	s0 =	simm.s32 @!p1 $0x0  }
0x14: {  	s2 =	sld [smem:$0x3F90];
	s0 =	simm.s32 @p1 $0x1  }
0x15: {  	[smem:$0x3FAD] =	sst s0;
	s0 =	simm.s32 @!p2 $0x0  }
0x16: {  	s3 =	sld [smem:$0x3FDB];
	s0 =	simm.s32 @p2 $0x1  }
0x17: {  	s4 =	simm.s32 $0x1BF5;
	[smem:$0x3FAF] =	sst s0  }
0x18: {  	s0 =	sld [smem:$0x3F92];
	_ =	swait.ge [sflag:s4], $0x0  }
0x19: {  	s7 =	sld [smem:$0x3F93]  }
0x1a: {  	s8 =	sadd.s32 $0xFFFFE003, lr  }
0x1b: {  	s9 =	sadd.s32 $0xFFFFFEF7, lr;
	s5 =	simm.s32 $0xFFFFFFFF;
	p2 =	slt.u32 s8, $0xFFFFF086  }
0x1c: {  	p1 =	slt.u32 s9, $0xF7A;
	s5 =	simm.s32 @!p2 $0x0  }
0x1d: {  	s5 =	simm.s32 @p1 $0x1;
	p0 =	seq.s32 s7, s2  }
0x1e: {  	s7 =	smul.u32 @!p0 $0xF7A, s2;
	p2 =	seq.s32 @!p0 s5, $0x0  }
0x1f: {  	s9 =	smul.u32 $0xF7A, s1;
	s8 =	simm.s32 @!p0 $0x1BF5;
	p2 =	por !p2, p0  }
0x20: {  	[sflag:s8] =	ssyncset.s32 @!p0 $0xFFFFF086;
	s6 =	sadd.s32 @!p0 s3, s7;
	s7 =	simm.s32 @!p0 $0x108  }
0x21: {  	s3 =	sadd.s32 s3, s9;
	s6 =	sadd.s32 @!p0 $0x88, s6;
	s7 =	simm.s32 @p2 $0x1082  }
0x22: {  	[simem:s7], [sflag:s8] =	dma.local @!p0 [hbm:s6], $0xF7A  }
0x23: {  	s9 =	sor.u32 $0xD0000000, s2;
	s6 =	simm.s32 $0x108;
	_ =	swait.ge @!p0 [sflag:s8], $0x0  }
0x24: {  	s3 =	sadd.s32 $0x88, s3;
	s6 =	simm.s32 @!p1 $0x1082;
	[sflag:s4] =	ssyncset.s32 $0xFFFFF086  }
0x25: {  	[simem:s6], [sflag:s4] =	dma.local [hbm:s3], $0xF7A  }
0x26: {  	[smem:$0x3F93] =	sst s1;
	(tag) =	ssettag s2;
	_ =	strace s9  }
0x27: {  	s1 =	sld [smem:$0x3FA3]  }
0x28: {  	s2 =	sld [smem:$0x3FA4]  }
0x29: {  	s4 =	sld [smem:$0x3FA6]  }
0x2a: {  	p0 =	seq.s32 s5, $0x0;
	s5 =	sld [smem:$0x3FA7]  }
0x2b: {  	s6 =	sld [smem:$0x3FA8]  }
0x2c: {  	s7 =	sld [smem:$0x3FA9]  }
0x2d: {  	s3 =	simm.s32 $0x108;
	s8 =	sld [smem:$0x3FAA]  }
0x2e: {  	s3 =	simm.s32 @!p0 $0x1082;
	s9 =	sld [smem:$0x3FAB]  }
0x2f: {  	lr =	sadd.s32 s0, s3;
	s0 =	sld [smem:$0x3FA2]  }
0x30: {  	s3 =	sld [smem:$0x3FA5]  }
0x31: {  	[smem:$0x3FAE] =	sst s10  }
0x32: {  	s10 =	sld [smem:$0x3FAC];
	_ =	sdelay $0x3  }
0x33: {  	p0 =	seq.s32 s10, $0x1;
	s10 =	sld [smem:$0x3FAE];
	_ =	sdelay $0x3  }
0x34: {  	[smem:$0x3FAE] =	sst s10  }
0x35: {  	s10 =	sld [smem:$0x3FAD];
	_ =	sdelay $0x3  }
0x36: {  	p1 =	seq.s32 s10, $0x1;
	s10 =	sld [smem:$0x3FAE];
	_ =	sdelay $0x3  }
0x37: {  	[smem:$0x3FAE] =	sst s10  }
0x38: {  	s10 =	sld [smem:$0x3FAF]  }
0x39: {  	_ = 	snop;
	(pc) =	sbr.ind lr, $3  }
0x3a: {  	_ = 	snop  }
0x3b: {  	_ = 	snop  }
0x3c: {  	p2 =	seq.s32 s10, $0x1;
	s10 =	sld [smem:$0x3FAE]  }
0x3d: {  	_ =	shalt  }
0x3e: {  	_ =	shalt  }
0x3f: {  	_ =	shalt  }
0x40: {  	_ =	shalt  }
0x41: {  	_ =	shalt  }
0x42: {  	_ =	shalt  }
0x43: {  	_ =	shalt  }
0x44: {  	_ =	shalt  }
0x45: {  	_ =	shalt  }
0x46: {  	_ =	shalt  }
0x47: {  	_ =	shalt  }
0x48: {  	_ =	shalt  }
0x49: {  	_ =	shalt  }
0x4a: {  	_ =	shalt  }
0x4b: {  	_ =	shalt  }
0x4c: {  	_ =	shalt  }
0x4d: {  	_ =	shalt  }
0x4e: {  	_ =	shalt  }
0x4f: {  	_ =	shalt  }
0x50: {  	_ =	shalt  }
0x51: {  	_ =	shalt  }
0x52: {  	_ =	shalt  }
0x53: {  	_ =	shalt  }
0x54: {  	_ =	shalt  }
0x55: {  	_ =	shalt  }
0x56: {  	_ =	shalt  }
0x57: {  	_ =	shalt  }
0x58: {  	_ =	shalt  }
0x59: {  	_ =	shalt  }
0x5a: {  	_ =	shalt  }
0x5b: {  	_ =	shalt  }
0x5c: {  	_ =	shalt  }
0x5d: {  	_ =	shalt  }
0x5e: {  	_ =	shalt  }
0x5f: {  	_ =	shalt  }
0x60: {  	_ =	shalt  }
0x61: {  	_ =	shalt  }
0x62: {  	_ =	shalt  }
0x63: {  	_ =	shalt  }
0x64: {  	_ =	shalt  }
0x65: {  	_ =	shalt  }
0x66: {  	_ =	shalt  }
0x67: {  	_ =	shalt  }
0x68: {  	_ =	shalt  }
0x69: {  	_ =	shalt  }
0x6a: {  	_ =	shalt  }
0x6b: {  	_ =	shalt  }
0x6c: {  	_ =	shalt  }
0x6d: {  	_ =	shalt  }
0x6e: {  	_ =	shalt  }
0x6f: {  	_ =	shalt  }
0x70: {  	_ =	shalt  }
0x71: {  	_ =	shalt  }
0x72: {  	_ =	shalt  }
0x73: {  	_ =	shalt  }
0x74: {  	_ =	shalt  }
0x75: {  	_ =	shalt  }
0x76: {  	_ =	shalt  }
0x77: {  	_ =	shalt  }
0x78: {  	_ =	shalt  }
0x79: {  	_ =	shalt  }
0x7a: {  	_ =	shalt  }
0x7b: {  	_ =	shalt  }
0x7c: {  	_ =	shalt  }
0x7d: {  	_ =	shalt  }
0x7e: {  	_ =	shalt  }
0x7f: {  	_ =	shalt  }
0x80: {  	_ =	shalt  }
0x81: {  	_ =	shalt  }
0x82: {  	_ =	shalt  }
0x83: {  	_ =	shalt  }
0x84: {  	_ =	shalt  }
0x85: {  	_ =	shalt  }
0x86: {  	_ =	shalt  }
0x87: {  	_ =	shalt  }
.Lfunc_end0:
.L_simem_size_0:
called_computation_lowered:
.L_overlay_start_0:
0x88: {  	s2 =	sld [smem:$0x3FD9]  }
0x89: {  	s3 =	sld [smem:$0x3FFE];
	_ =	sdelay $0x1  }
0x8a: {  	s1 =	srdreg.scid  }
0x8b: {  	s0 =	sand.u32 $0x1, s1  }
0x8c: {  	s17 =	sshll.u32 s0, $0xA;
	s2 =	sadd.s32 s3, s2  }
0x8d: {  	s2 =	sadd.s32 s2, s17  }
0x8e: {  	[smem:$0x3FBA] =	sst s2  }
0x8f: {  	_ = 	snop  }
0x90: {  	s2 =	sld [smem:$0x3FD0];
	(tm) =	ssettm $0x1  }
0x91: {  	s18 =	sld [smem:$0x3FFB];
	_ =	sdelay $0x3  }
0x92: {  	_ =	strace s18  }
0x93: {  	s3 =	sld [smem:$0x3FFC];
	_ =	sdelay $0x3  }
0x94: {  	_ =	strace s3  }
0x95: {  	s3 =	sld [smem:$0x3FFD];
	_ =	sdelay $0x3  }
0x96: {  	_ =	strace s3  }
0x97: {  	_ =	strace $0x8FFFFFFF  }
0x98: {  	s19 =	sld [smem:$0x3FDB];
	_ =	sdelay $0x1  }
0x99: {  	s4 =	simm.s32 $_scs_section_size  }
0x9a: {  	s5 =	simm.s32 $_size__tile_overlayer_lowered;
	s6 =	simm.s32 $_tile_overlayer_lowered  }
0x9b: {  	s22 =	simm.s32 $0x1BFF;
	s21 =	sshll.u32 s6, $0x1;
	s3 =	sadd.s32 s4, s19  }
0x9c: {  	s7 =	simm.s32 $0x0;
	s20 =	sshll.u32 s5, $0x1;
	s5 =	sadd.s32 s21, s3  }
0x9d: {  	[timem:s7], [sflag:s22] =	dma.local [hbm:s5], s20  }
0x9e: {  	_ =	swait.ge [sflag:s22], s20  }
0x9f: {  	s4 =	ssub.s32 $0x0, s20;
	[sflag:s22] =	ssyncset.done $0x0  }
0xa0: {  	[sflag:s22] =	ssyncadd.s32 s4;
	_ =	sdelay $0x1  }
0xa1: {  	s23 =	simm.s32 $0x1B8B  }
0xa2: {  	_ =	swait.ge [sflag:s23], $0x1  }
0xa3: {  	[sflag:s23] =	ssyncset.done $0x0  }
0xa4: {  	s25 =	simm.s32 $0x1B8E;
	s24 =	sld [smem:$0x3FFE];
	[sflag:s23] =	ssyncadd.s32 $0xFFFFFFFF  }
0xa5: {  	s26 =	simm.s32 $execute0_lowered;
	[smem:$0x3FD2] =	sst s25  }
0xa6: {  	s5 =	sshll.u32 s26, $0x1;
	_ =	strace $0x80000046;
	[dreg:$0x1] =	wrdreg $0xFFFFFFFF  }
0xa7: {  	s28 =	simm.s32 $_size_execute0_lowered;
	s3 =	sadd.s32 s3, s5;
	[dreg:$0x0] =	wrdreg $0x0  }
0xa8: {  	s5 =	sshll.u32 s28, $0x1;
	[dreg:$0x2] =	wrdreg s3  }
0xa9: {  	[dreg:$0x3] =	wrdreg s5  }
0xaa: {  	[dreg:$0x4] =	wrdreg $0xC0  }
0xab: {  	_ =	task [dreg:s7], $0x5FFFF  }
0xac: {  	[dreg:$0x1] =	wrdreg $0xFFFFFFFF  }
0xad: {  	[dreg:$0x0] =	wrdreg $0x60  }
0xae: {  	[dreg:$0x2] =	wrdreg s24  }
0xaf: {  	[dreg:$0x3] =	wrdreg s2  }
0xb0: {  	[dreg:$0x4] =	wrdreg $0x9  }
0xb1: {  	_ =	task.clear_ibuf [dreg:s7], $0x5FFFF;
	_ =	strace $0x90000046  }
0xb2: {  	s29 =	simm.s32 $0x9;
	_ =	strace $0x80000048  }
0xb3: {  	_ =	swait.ge [sflag:s29], $0x1  }
0xb4: {  	[sflag:s29] =	ssyncadd.s32 $0xFFFFFFFF  }
0xb5: {  	_ =	strace $0x90000048  }
0xb6: {  	_ =	sfence  }
0xb7: {  	s30 =	sld [smem:$0x0];
	_ =	sdelay $0x2  }
0xb8: {  	s31 =	sshll.u32 s1, $0xD;
	s1 =	sshrl.u32 s1, $0x2  }
0xb9: {  	s3 =	sand.u32 $0x4000, s31;
	s1 =	sadd.s32 s1, s30  }
0xba: {  	s0 =	sor.u32 s3, s0;
	s1 =	sshll.u32 s1, $0x11  }
0xbb: {  	s0 =	sor.u32 s1, s0  }
0xbc: {  	s0 =	sadd.s32 $0x8F2B, s0  }
0xbd: {  	[sflag:s0] =	ssyncadd.remote.s32 $0x1  }
0xbe: {  	_ =	sfence.sel $0xFFFF  }
0xbf: {  	[dreg:$0x0] =	wrdreg $0xFFFFFFFF;
	(pc) =	sbr.abs _section_cstart, $3  }
0xc0: {  	[dreg:$0x1] =	wrdreg $0xFFFFFFFF  }
0xc1: {  	_ =	task.clear_ibuf [dreg:s7], $0x2FFFF;
	_ =	strace $0x9FFFFFFF  }
0xc2: {  	(tm) =	ssettm $0x7FFFFFFF  }
0xc3: {  	_ =	shalt  }
tec
execute0_lowered:
.L_overlay_start_1:
0x0: {  	(tag) =	ssettag $0x1  }
0x1: {  	v0 =	vlaneseq.u32  }
0x2: {  	v0 =	vmul.u32 $0x80, v0;
	_ =	sdelay $0x1  }
0x3: {  	v1 =	vor.u32 $0x1, v0;
	v2 =	vor.u32 $0x2, v0;
	v3 =	vor.u32 $0x3, v0  }
0x4: {  	v4 =	vor.u32 $0x4, v0;
	v5 =	vor.u32 $0x5, v0;
	v6 =	vor.u32 $0x6, v0  }
0x5: {  	s4 =	rddreg [dreg:$0x0];
	v7 =	vor.u32 $0x7, v0;
	v8 =	vor.u32 $0x8, v0;
	v9 =	vor.u32 $0x9, v0  }
0x6: {  	s6 =	rddreg [dreg:$0x1];
	v10 =	vor.u32 $0xA, v0;
	v11 =	vor.u32 $0xB, v0;
	v12 =	vor.u32 $0xC, v0  }
0x7: {  	s0 =	rddreg [dreg:$0x2];
	s1 =	simm.s32 $0x0;
	v13 =	vor.u32 $0xD, v0;
	v14 =	vor.u32 $0xE, v0;
	v15 =	vor.u32 $0xF, v0  }
0x8: {  	s3 =	srdreg.scid;
	s2 =	stileid.u32;
	s11 =	simm.s32 $0x2;
	v16 =	vor.u32 $0x10, v0;
	v17 =	vor.u32 $0x11, v0;
	v18 =	vor.u32 $0x12, v0  }
0x9: {  	s12 =	simm.s32 $0x0;
	s5 =	sand.u32 $0x1, s3;
	s7 =	sshll.u32 s2, $0x1;
	v19 =	vor.u32 $0x13, v0;
	v20 =	vor.u32 $0x14, v0;
	v21 =	vor.u32 $0x15, v0  }
0xa: {  	[smem:$0x7FF] =	sst s1;
	s3 =	sadd.s32 $0x1A00, s4;
	s7 =	sor.u32 s5, s7;
	v22 =	vor.u32 $0x16, v0;
	v23 =	vor.u32 $0x17, v0;
	v24 =	vor.u32 $0x18, v0  }
0xb: {  	_ =	strace $0x80000047;
	s5 =	ssub.s32 $0x2, s5;
	s8 =	sshll.u32 s7, $0x6;
	v25 =	vor.u32 $0x19, v0;
	v26 =	vor.u32 $0x1A, v0;
	v27 =	vor.u32 $0x1B, v0  }
0xc: {  	s7 =	sshll.u32 s7, $0xD;
	s9 =	sshrl.u32 s5, $0x1;
	v28 =	vor.u32 $0x1C, v0;
	v29 =	vor.u32 $0x1D, v0;
	v30 =	vor.u32 $0x1E, v0;
	s10 =	sadd.s32 s8, s4  }
0xd: {  	v31 =	vor.u32 $0x1F, v0;
	v32 =	vor.u32 $0x20, v0;
	v33 =	vor.u32 $0x21, v0;
	s7 =	sadd.s32 s7, s4;
	s9 =	ssub.s32 s5, s9;
	s6 =	sadd.s32 s6, s8  }
0xe: {  	v34 =	vor.u32 $0x22, v0;
	v35 =	vor.u32 $0x23, v0;
	v36 =	vor.u32 $0x24, v0;
	s4 =	sadd.s32 $0x2600, s10;
	s5 =	sadd.s32 $0x1E00, s10;
	s7 =	sadd.s32 $0x2E00, s7  }
0xf: {  	v37 =	vor.u32 $0x25, v0;
	v38 =	vor.u32 $0x26, v0;
	v39 =	vor.u32 $0x27, v0;
	s8 =	smax.u32 s9, $0x1;
	s9 =	simm.s32 $0x1;
	s10 =	simm.s32 $0x1E80  }
.LBB2_1:
0x10: {  	[tilespmem:s1], [sflag:$0x1] =	stream.linear.gather [hbm4b:s3+s1], $0x1880, $0x38;
	[tilespmem:$0x11E80] =	vst v63  }
0x11: {  	s13 =	simm.s32 $0x1880  }
0x12: {  	[tilespmem:s13], [sflag:$0x1] =	stream.linear.gather [hbm4b:s4+s1], $0x200, $0x38;
	[tilespmem:$0x11E80] =	vst v63  }
0x13: {  	s14 =	simm.s32 $0x1A80  }
0x14: {  	[tilespmem:s14], [sflag:$0x1] =	stream.linear.gather [hbm4b:s5+s1], $0x200, $0x38;
	[tilespmem:$0x11E80] =	vst v63  }
0x15: {  	s15 =	simm.s32 $0x1C80  }
0x16: {  	[tilespmem:s15], [sflag:$0x1] =	stream.linear.gather [hbm4b:s6+s1], $0x200, $0x38;
	[tilespmem:$0x11E80] =	vst v63  }
0x17: {  	_ =	swait.ge [sflag:s9], $0x1880  }
0x18: {  	[sflag:s9] =	ssyncset.done $0x0  }
0x19: {  	[sflag:s9] =	ssyncadd.s32 $0xFFFFE780  }
0x1a: {  	_ =	swait.ge [sflag:s9], $0x200  }
0x1b: {  	[sflag:s9] =	ssyncset.done $0x0  }
0x1c: {  	[sflag:s9] =	ssyncadd.s32 $0xFFFFFE00  }
0x1d: {  	_ =	swait.ge [sflag:s9], $0x200  }
0x1e: {  	[sflag:s9] =	ssyncset.done $0x0  }
0x1f: {  	[sflag:s9] =	ssyncadd.s32 $0xFFFFFE00  }
0x20: {  	_ =	swait.ge [sflag:s9], $0x200  }
0x21: {  	[sflag:s9] =	ssyncset.done $0x0  }
0x22: {  	s16 =	simm.s32 $0x0;
	[sflag:s9] =	ssyncadd.s32 $0xFFFFFE00  }
.LBB2_2:
0x23: {  	v40 =	vld [tilespmem:s13+$0x0];
	_ =	sdelay $0x4  }
0x24: {  	v40 =	vshll.u32 v40, $0x5  }
0x25: {  	v41 =	vor.u32 $0x1, v40;
	_ =	sdelay $0x1  }
0x26: {  	v42 =	vor.u32 $0x2, v40  }
0x27: {  	v43 =	vld [tilespmem:s14+$0x0];
	v44 =	vor.u32 $0x3, v40  }
0x28: {  	v47 =	vor.u32 s16, v0;
	v46 =	vor.u32 $0x4, v40;
	v48 =	vld.idx.msk [tilespmem:v40+s1+$0x0], $0xffff  }
0x29: {  	v50 =	vor.u32 s16, v1;
	v49 =	vor.u32 $0x5, v40;
	v41 =	vld.idx.msk [tilespmem:v41+s1+$0x0], $0xffff  }
0x2a: {  	v45 =	vld [tilespmem:s15+$0x0];
	v51 =	vor.u32 $0x6, v40  }
0x2b: {  	v52 =	vor.u32 s16, v2;
	v42 =	vld.idx.msk [tilespmem:v42+s1+$0x0], $0xffff  }
0x2c: {  	v56 =	vor.u32 s16, v3;
	v55 =	vor.u32 $0x7, v40;
	v44 =	vld.idx.msk [tilespmem:v44+s1+$0x0], $0xffff  }
0x2d: {  	v58 =	vor.u32 s16, v4;
	v57 =	vor.u32 $0x8, v40;
	v46 =	vld.idx.msk [tilespmem:v46+s1+$0x0], $0xffff;
	[tilespmem:v47+s10+$0x0] =	vst.idx.msk $0xffff, v48  }
0x2e: {  	v60 =	vor.u32 s16, v5;
	v59 =	vor.u32 $0x9, v40;
	v48 =	vld.idx.msk [tilespmem:v49+s1+$0x0], $0xffff;
	[tilespmem:v50+s10+$0x0] =	vst.idx.msk $0xffff, v41  }
0x2f: {  	v62 =	vor.u32 s16, v6;
	v61 =	vor.u32 $0xA, v40;
	v50 =	vld.idx.msk [tilespmem:v51+s1+$0x0], $0xffff  }
0x30: {  	[tilespmem:v52+s10+$0x0] =	vst.idx.msk $0xffff, v42  }
0x31: {  	v63 =	vor.u32 $0xB, v40;
	v47 =	vld.idx.msk [tilespmem:v55+s1+$0x0], $0xffff;
	[tilespmem:v56+s10+$0x0] =	vst.idx.msk $0xffff, v44;
	v56 =	vor.u32 s16, v7  }
0x32: {  	v41 =	vld.idx.msk [tilespmem:v57+s1+$0x0], $0xffff;
	[tilespmem:v58+s10+$0x0] =	vst.idx.msk $0xffff, v46;
	v57 =	vor.u32 $0xC, v40;
	v58 =	vor.u32 s16, v8  }
0x33: {  	v42 =	vld.idx.msk [tilespmem:v59+s1+$0x0], $0xffff;
	v59 =	vor.u32 $0xD, v40;
	[tilespmem:v60+s10+$0x0] =	vst.idx.msk $0xffff, v48;
	v60 =	vor.u32 s16, v9  }
0x34: {  	v44 =	vld.idx.msk [tilespmem:v61+s1+$0x0], $0xffff;
	[tilespmem:v62+s10+$0x0] =	vst.idx.msk $0xffff, v50;
	v61 =	vor.u32 $0xE, v40;
	v62 =	vor.u32 s16, v10;
	_ =	sdelay $0x1  }
0x35: {  	v46 =	vld.idx.msk [tilespmem:v63+s1+$0x0], $0xffff;
	[tilespmem:v56+s10+$0x0] =	vst.idx.msk $0xffff, v47;
	v63 =	vor.u32 $0xF, v40;
	v56 =	vor.u32 s16, v11  }
0x36: {  	v48 =	vld.idx.msk [tilespmem:v57+s1+$0x0], $0xffff;
	[tilespmem:v58+s10+$0x0] =	vst.idx.msk $0xffff, v41;
	v57 =	vor.u32 $0x10, v40;
	v58 =	vor.u32 s16, v12  }
0x37: {  	v49 =	vld.idx.msk [tilespmem:v59+s1+$0x0], $0xffff;
	v59 =	vor.u32 $0x11, v40;
	[tilespmem:v60+s10+$0x0] =	vst.idx.msk $0xffff, v42;
	v60 =	vor.u32 s16, v13  }
0x38: {  	v47 =	vld.idx.msk [tilespmem:v61+s1+$0x0], $0xffff;
	[tilespmem:v62+s10+$0x0] =	vst.idx.msk $0xffff, v44;
	v61 =	vor.u32 $0x12, v40;
	v62 =	vor.u32 s16, v14  }
0x39: {  	v40 =	vor.u32 $0x13, v40  }
0x3a: {  	v43 =	vshll.u32 v43, $0x5;
	v41 =	vld.idx.msk [tilespmem:v63+s1+$0x0], $0xffff;
	[tilespmem:v56+s10+$0x0] =	vst.idx.msk $0xffff, v46;
	v63 =	vor.u32 s16, v15  }
0x3b: {  	v54 =	vadd.s32 $0x1340, v43;
	v55 =	vor.u32 s16, v16;
	v42 =	vld.idx.msk [tilespmem:v57+s1+$0x0], $0xffff;
	[tilespmem:v58+s10+$0x0] =	vst.idx.msk $0xffff, v48  }
0x3c: {  	v56 =	vadd.s32 $0x1341, v43;
	v57 =	vor.u32 s16, v17;
	v44 =	vld.idx.msk [tilespmem:v59+s1+$0x0], $0xffff;
	[tilespmem:v60+s10+$0x0] =	vst.idx.msk $0xffff, v49  }
0x3d: {  	v58 =	vadd.s32 $0x1342, v43;
	v59 =	vor.u32 s16, v18;
	v46 =	vld.idx.msk [tilespmem:v61+s1+$0x0], $0xffff;
	[tilespmem:v62+s10+$0x0] =	vst.idx.msk $0xffff, v47  }
0x3e: {  	v60 =	vadd.s32 $0x1343, v43;
	v61 =	vor.u32 s16, v19;
	v40 =	vld.idx.msk [tilespmem:v40+s1+$0x0], $0xffff  }
0x3f: {  	v62 =	vadd.s32 $0x1344, v43;
	[tilespmem:v63+s10+$0x0] =	vst.idx.msk $0xffff, v41  }
0x40: {  	v63 =	vor.u32 s16, v20;
	v48 =	vld.idx.msk [tilespmem:v54+s1+$0x0], $0xffff;
	[tilespmem:v55+s10+$0x0] =	vst.idx.msk $0xffff, v42  }
0x41: {  	v54 =	vadd.s32 $0x1345, v43;
	v55 =	vor.u32 s16, v21;
	v47 =	vld.idx.msk [tilespmem:v56+s1+$0x0], $0xffff;
	[tilespmem:v57+s10+$0x0] =	vst.idx.msk $0xffff, v44  }
0x42: {  	v56 =	vadd.s32 $0x1346, v43;
	v57 =	vor.u32 s16, v22;
	v41 =	vld.idx.msk [tilespmem:v58+s1+$0x0], $0xffff;
	[tilespmem:v59+s10+$0x0] =	vst.idx.msk $0xffff, v46  }
0x43: {  	v58 =	vadd.s32 $0x1347, v43;
	v59 =	vor.u32 s16, v23;
	v42 =	vld.idx.msk [tilespmem:v60+s1+$0x0], $0xffff;
	[tilespmem:v61+s10+$0x0] =	vst.idx.msk $0xffff, v40  }
0x44: {  	v60 =	vadd.s32 $0x1348, v43;
	v61 =	vor.u32 s16, v24;
	v44 =	vld.idx.msk [tilespmem:v62+s1+$0x0], $0xffff  }
0x45: {  	[tilespmem:v63+s10+$0x0] =	vst.idx.msk $0xffff, v48;
	v62 =	vadd.s32 $0x1349, v43  }
0x46: {  	v52 =	vor.u32 s16, v25;
	v43 =	vshll.u32 v45, $0x5;
	v46 =	vld.idx.msk [tilespmem:v54+s1+$0x0], $0xffff;
	[tilespmem:v55+s10+$0x0] =	vst.idx.msk $0xffff, v47  }
0x47: {  	v53 =	vadd.s32 $0x15C0, v43;
	v54 =	vor.u32 s16, v26;
	v40 =	vld.idx.msk [tilespmem:v56+s1+$0x0], $0xffff;
	[tilespmem:v57+s10+$0x0] =	vst.idx.msk $0xffff, v41  }
0x48: {  	v55 =	vadd.s32 $0x15C1, v43;
	v56 =	vor.u32 s16, v27;
	v63 =	vld.idx.msk [tilespmem:v58+s1+$0x0], $0xffff;
	[tilespmem:v59+s10+$0x0] =	vst.idx.msk $0xffff, v42  }
0x49: {  	v57 =	vadd.s32 $0x15C2, v43;
	v58 =	vor.u32 s16, v28;
	v47 =	vld.idx.msk [tilespmem:v60+s1+$0x0], $0xffff;
	[tilespmem:v61+s10+$0x0] =	vst.idx.msk $0xffff, v44  }
0x4a: {  	v59 =	vadd.s32 $0x15C3, v43;
	v60 =	vor.u32 s16, v29;
	v41 =	vld.idx.msk [tilespmem:v62+s1+$0x0], $0xffff  }
0x4b: {  	v61 =	vadd.s32 $0x15C4, v43;
	[tilespmem:v52+s10+$0x0] =	vst.idx.msk $0xffff, v46  }
0x4c: {  	v62 =	vor.u32 s16, v30;
	v42 =	vld.idx.msk [tilespmem:v53+s1+$0x0], $0xffff;
	[tilespmem:v54+s10+$0x0] =	vst.idx.msk $0xffff, v40  }
0x4d: {  	v52 =	vor.u32 s16, v31;
	v44 =	vld.idx.msk [tilespmem:v55+s1+$0x0], $0xffff;
	[tilespmem:v56+s10+$0x0] =	vst.idx.msk $0xffff, v63;
	v63 =	vadd.s32 $0x15C5, v43  }
0x4e: {  	v53 =	vadd.s32 $0x15C6, v43;
	v54 =	vor.u32 s16, v32;
	v46 =	vld.idx.msk [tilespmem:v57+s1+$0x0], $0xffff;
	[tilespmem:v58+s10+$0x0] =	vst.idx.msk $0xffff, v47  }
0x4f: {  	v55 =	vadd.s32 $0x15C7, v43;
	v56 =	vor.u32 s16, v33;
	v40 =	vld.idx.msk [tilespmem:v59+s1+$0x0], $0xffff;
	[tilespmem:v60+s10+$0x0] =	vst.idx.msk $0xffff, v41  }
0x50: {  	v57 =	vadd.s32 $0x15C8, v43;
	v58 =	vor.u32 s16, v34;
	v45 =	vld.idx.msk [tilespmem:v61+s1+$0x0], $0xffff  }
0x51: {  	v43 =	vadd.s32 $0x15C9, v43;
	[tilespmem:v62+s10+$0x0] =	vst.idx.msk $0xffff, v42  }
0x52: {  	v59 =	vor.u32 s16, v35;
	v47 =	vld.idx.msk [tilespmem:v63+s1+$0x0], $0xffff;
	[tilespmem:v52+s10+$0x0] =	vst.idx.msk $0xffff, v44  }
0x53: {  	v60 =	vor.u32 s16, v36;
	v41 =	vld.idx.msk [tilespmem:v53+s1+$0x0], $0xffff;
	[tilespmem:v54+s10+$0x0] =	vst.idx.msk $0xffff, v46  }
0x54: {  	v61 =	vor.u32 s16, v37;
	v42 =	vld.idx.msk [tilespmem:v55+s1+$0x0], $0xffff;
	[tilespmem:v56+s10+$0x0] =	vst.idx.msk $0xffff, v40  }
0x55: {  	v62 =	vor.u32 s16, v38;
	v44 =	vld.idx.msk [tilespmem:v57+s1+$0x0], $0xffff;
	[tilespmem:v58+s10+$0x0] =	vst.idx.msk $0xffff, v45  }
0x56: {  	p0 =	sne.s32 s16, $0xF800;
	v63 =	vor.u32 s16, v39;
	v43 =	vld.idx.msk [tilespmem:v43+s1+$0x0], $0xffff  }
.Ltmp0:
0x57: {  	[tilespmem:v59+s10+$0x0] =	vst.idx.msk $0xffff, v47;
	(pc) =	sbr.rel @p0 .LBB2_2-.Ltmp0, $4  }
0x58: {  	[tilespmem:v60+s10+$0x0] =	vst.idx.msk $0xffff, v41  }
0x59: {  	[tilespmem:v61+s10+$0x0] =	vst.idx.msk $0xffff, v42  }
0x5a: {  	s13 =	sadd.s32 $0x10, s13;
	[tilespmem:v62+s10+$0x0] =	vst.idx.msk $0xffff, v44  }
0x5b: {  	s14 =	sadd.s32 $0x10, s14;
	s15 =	sadd.s32 $0x10, s15;
	s16 =	sadd.s32 $0x800, s16;
	[tilespmem:v63+s10+$0x0] =	vst.idx.msk $0xffff, v43  }
0x5c: {  	s12 =	sadd.s32 $0x1, s12  }
0x5d: {  	p0 =	sne.s32 s12, s8  }
.Ltmp1:
0x5e: {  	_ = 	snop;
	(pc) =	sbr.rel @p0 .LBB2_1-.Ltmp1, $4  }
0x5f: {  	[hbm4b:s7+s1] =	stream.linear.scatter [tilespmem:s10], [sflag:$0x2], $0x10000, $0x38;
	[tilespmem:$0x11E80] =	vst v63  }
0x60: {  	_ =	swait.ge [sflag:s11], $0x10000  }
0x61: {  	[sflag:s11] =	ssyncset.done $0x0  }
0x62: {  	[sflag:s11] =	ssyncadd.s32 $0xFFFF0000  }
0x63: {  	_ =	sfence.sel $0x180000  }
0x64: {  	[bflag:$0x0] =	sbarrier.arrive $0xFFFF  }
0x65: {  	p0 =	sne.s32 s2, $0x0;
	_ =	strace $0x90000047  }
0x66: {  	s0 =	sadd.s32 @!p0 $0x100000, s0;
	[bflag:$0x2] =	sbarrier.arrive $0xFFFF  }
0x67: {  	[sflag:s0] =	ssyncadd.tile.s32 @!p0 $0x1;
	_ =	shalt  }
.Lfunc_end2:
_tile_overlayer_lowered:
.L_overlay_start_2:
0x68: {  	(tag) =	ssettag $0x2  }
0x69: {  	s0 =	rddreg [dreg:$0x0];
	s2 =	stileid.u32  }
0x6a: {  	s1 =	rddreg [dreg:$0x1];
	p0 =	sne.s32 s2, $0x0  }
0x6b: {  	s3 =	rddreg [dreg:$0x2];
	[bflag:$0x3] =	sbarrier.arrive $0xFFFF;
	s2 =	simm.s32 @!p0 $0x1C02  }
0x6c: {  	[timem:s3], [sflag:s2] =	dma.local @!p0 [hbm:s0], s1  }
0x6d: {  	s0 =	simm.s32 @!p0 $0x2  }
0x6e: {  	_ =	swait.ge @!p0 [sflag:s0], s1  }
0x6f: {  	s1 =	ssub.s32 @!p0 $0x0, s1;
	[sflag:s0] =	ssyncset.done @!p0 $0x0  }
0x70: {  	[sflag:s0] =	ssyncadd.s32 @!p0 s1  }
0x71: {  	[bflag:$0x3] =	sbarrier.arrive $0xFFFF  }
0x72: {  	_ =	shalt  }

</sc_bundles>
